<compile_context>
chip_gen: v7x
topology: tpu7x:2x2x1
jax: 0.10.2.dev20260603
libtpu: 0.0.44.dev20260713+nightly
codegen_flags: <defaults>
</compile_context>

<pallas_src>
import jax
import jax.numpy as jnp
from jax import lax
from jax.experimental import pallas as pl
from jax.experimental.pallas import tpu as pltpu
from jax.experimental.pallas import tpu_sc as plsc

F32 = jnp.float32

NC = 2
NS = 16
NW = NC * NS

N = 10000
NP = 10240
E = 320000
F = 128
EPW = E // NW
EPT = E // NS
CH = 80
FH = F // 2
RPT = NP // NS
BLK = 5120

_mesh = plsc.VectorSubcoreMesh(
    core_axis_name="c", subcore_axis_name="s", num_cores=NC, num_subcores=NS
)


def _worker_id():
    return lax.axis_index("s") * NC + lax.axis_index("c")


def _deg_body(ei_hbm, out_hbm, colv, hist, tmpv, redv, acc):
    cid = lax.axis_index("c")
    sid = lax.axis_index("s")
    wid = _worker_id()
    pltpu.sync_copy(ei_hbm.at[1, pl.ds(wid * EPW, EPW)], colv)
    zero16 = jnp.zeros((16,), F32)
    one16 = jnp.ones((16,), F32)

    def zbody(i, c):
        hist[pl.ds(i * 16, 16)] = zero16
        return c

    lax.fori_loop(0, NP // 16, zbody, 0)

    def body(k, c):
        idx = colv[pl.ds(k * 16, 16)]
        plsc.addupdate_scatter(hist, [idx], one16)
        return c

    lax.fori_loop(0, EPW // 16, body, 0)
    pltpu.sync_copy(hist, acc.at[sid])
    plsc.subcore_barrier()
    pltpu.sync_copy(acc.at[:, pl.ds(sid * RPT, RPT)], tmpv)

    def rbody(i, c):
        v = tmpv[0, pl.ds(i * 16, 16)]
        for t in range(1, NS):
            v = v + tmpv[t, pl.ds(i * 16, 16)]
        redv[pl.ds(i * 16, 16)] = v
        return c

    lax.fori_loop(0, RPT // 16, rbody, 0)
    pltpu.sync_copy(redv, out_hbm.at[cid, pl.ds(sid * RPT, RPT)])


def _deg_call(ei):
    return pl.kernel(
        _deg_body,
        out_type=jax.ShapeDtypeStruct((NC, NP), F32),
        mesh=_mesh,
        scratch_types=[
            pltpu.VMEM((EPW,), jnp.int32),
            pltpu.VMEM((NP,), F32),
            pltpu.VMEM((NS, RPT), F32),
            pltpu.VMEM((RPT,), F32),
            pltpu.VMEM_SHARED((NS, NP), F32),
        ],
        compiler_params=pltpu.CompilerParams(
            needs_layout_passes=False, use_tc_tiling_on_sc=False
        ),
    )(ei)


def _tc1_body(x_ref, w_ref, deg_ref, y_ref, y2_ref, dinv_ref):
    deg = 1.0 + deg_ref[0] + deg_ref[1]
    dinv = lax.rsqrt(deg)
    xw = jnp.dot(x_ref[...], w_ref[...], preferred_element_type=F32)
    y = xw * dinv[:, None]
    y_ref[...] = y
    y2_ref[0] = y[:, :FH]
    y2_ref[1] = y[:, FH:]
    dinv_ref[...] = dinv[:, None]


def _tc1_call(x, W1, deg2):
    blk = BLK
    return pl.pallas_call(
        _tc1_body,
        grid=(NP // blk,),
        in_specs=[
            pl.BlockSpec((blk, F), lambda i: (i, 0)),
            pl.BlockSpec((F, F), lambda i: (0, 0)),
            pl.BlockSpec((NC, blk), lambda i: (0, i)),
        ],
        out_specs=[
            pl.BlockSpec((blk, F), lambda i: (i, 0)),
            pl.BlockSpec((NC, blk, FH), lambda i: (0, i, 0)),
            pl.BlockSpec((blk, 1), lambda i: (i, 0)),
        ],
        out_shape=[
            jax.ShapeDtypeStruct((NP, F), F32),
            jax.ShapeDtypeStruct((NC, NP, FH), F32),
            jax.ShapeDtypeStruct((NP, 1), F32),
        ],
    )(x, W1, deg2)


def _scat_body(ei_hbm, y2_hbm, zeros_hbm, out_hbm, rowv, colv, b0, b1_, acc,
               sem0, sem1, ssem0, ssem1):
    cid = lax.axis_index("c")
    sid = lax.axis_index("s")
    z = pltpu.async_copy(zeros_hbm, acc.at[pl.ds(sid * RPT, RPT)], ssem0)
    r = pltpu.async_copy(ei_hbm.at[0, pl.ds(sid * EPT, EPT)], rowv, sem0)
    c = pltpu.async_copy(ei_hbm.at[1, pl.ds(sid * EPT, EPT)], colv, sem1)
    z.wait()
    r.wait()
    c.wait()
    plsc.subcore_barrier()
    ysrc = y2_hbm.at[cid]

    def gwait(j, buf, sem):
        pltpu.make_async_copy(ysrc.at[rowv.at[pl.ds(j, CH)]], buf, sem).wait()

    def swait(j, buf, sem):
        pltpu.make_async_copy(buf, acc.at[colv.at[pl.ds(j, CH)]], sem).wait()

    pltpu.async_copy(ysrc.at[rowv.at[pl.ds(0, CH)]], b0, sem0)
    pltpu.async_copy(ysrc.at[rowv.at[pl.ds(CH, CH)]], b1_, sem1)

    def body(t, carry):
        j0 = t * 2 * CH
        j1 = j0 + CH
        gwait(j0, b0, sem0)
        pltpu.async_copy(b0, acc.at[colv.at[pl.ds(j0, CH)]], ssem0, add=True)
        gwait(j1, b1_, sem1)
        pltpu.async_copy(b1_, acc.at[colv.at[pl.ds(j1, CH)]], ssem1, add=True)
        swait(j0, b0, ssem0)
        pltpu.async_copy(ysrc.at[rowv.at[pl.ds(j0 + 2 * CH, CH)]], b0, sem0)
        swait(j1, b1_, ssem1)
        pltpu.async_copy(ysrc.at[rowv.at[pl.ds(j1 + 2 * CH, CH)]], b1_, sem1)
        return carry

    lax.fori_loop(0, EPT // (2 * CH) - 1, body, 0)
    jt0 = EPT - 2 * CH
    jt1 = EPT - CH
    gwait(jt0, b0, sem0)
    pltpu.async_copy(b0, acc.at[colv.at[pl.ds(jt0, CH)]], ssem0, add=True)
    gwait(jt1, b1_, sem1)
    pltpu.async_copy(b1_, acc.at[colv.at[pl.ds(jt1, CH)]], ssem1, add=True)
    swait(jt0, b0, ssem0)
    swait(jt1, b1_, ssem1)
    plsc.subcore_barrier()
    pltpu.sync_copy(
        acc.at[pl.ds(sid * RPT, RPT)], out_hbm.at[cid, pl.ds(sid * RPT, RPT)]
    )


def _scat_call(ei, y2, zeros):
    return pl.kernel(
        _scat_body,
        out_type=jax.ShapeDtypeStruct((NC, NP, FH), F32),
        mesh=_mesh,
        scratch_types=[
            pltpu.VMEM((EPT,), jnp.int32),
            pltpu.VMEM((EPT,), jnp.int32),
            pltpu.VMEM((CH, FH), F32),
            pltpu.VMEM((CH, FH), F32),
            pltpu.VMEM_SHARED((NP, FH), F32),
            pltpu.SemaphoreType.DMA,
            pltpu.SemaphoreType.DMA,
            pltpu.SemaphoreType.DMA,
            pltpu.SemaphoreType.DMA,
        ],
        compiler_params=pltpu.CompilerParams(
            needs_layout_passes=False, use_tc_tiling_on_sc=False
        ),
    )(ei, y2, zeros)


def _tc2_body(s_ref, y_ref, dinv_ref, b1_ref, wfc_ref, bfc_ref, ab_ref):
    s = jnp.concatenate([s_ref[0], s_ref[1]], axis=1)
    h = dinv_ref[...] * (s + y_ref[...]) + b1_ref[...]
    wd = wfc_ref[:, 0] - wfc_ref[:, 1]
    wd2 = jnp.concatenate([wd[:F, None], wd[F:, None]], axis=1)
    ab = jnp.dot(h, wd2, preferred_element_type=F32)
    c0 = bfc_ref[0, 0] - bfc_ref[0, 1]
    ab_ref[...] = jnp.concatenate([ab[:, 0:1] + c0, ab[:, 1:2]], axis=1).T


def _tc2_call(s2, y, dinv, b1, Wfc, bfc):
    blk = BLK
    return pl.pallas_call(
        _tc2_body,
        grid=(NP // blk,),
        in_specs=[
            pl.BlockSpec((NC, blk, FH), lambda i: (0, i, 0)),
            pl.BlockSpec((blk, F), lambda i: (i, 0)),
            pl.BlockSpec((blk, 1), lambda i: (i, 0)),
            pl.BlockSpec((1, F), lambda i: (0, 0)),
            pl.BlockSpec((2 * F, 2), lambda i: (0, 0)),
            pl.BlockSpec((1, 2), lambda i: (0, 0)),
        ],
        out_specs=pl.BlockSpec((2, blk), lambda i: (0, i)),
        out_shape=jax.ShapeDtypeStruct((2, NP), F32),
    )(s2, y, dinv, b1.reshape(1, F), Wfc, bfc.reshape(1, 2))


def _edge_body(ei_hbm, ab_hbm, out_hbm, rowv, colv, av, bv, p0v, p1v,
               esem0, esem1, esem2, esem3):
    wid = _worker_id()
    base = wid * EPW
    r = pltpu.async_copy(ei_hbm.at[0, pl.ds(base, EPW)], rowv, esem0)
    c = pltpu.async_copy(ei_hbm.at[1, pl.ds(base, EPW)], colv, esem1)
    a = pltpu.async_copy(ab_hbm.at[0], av, esem2)
    b = pltpu.async_copy(ab_hbm.at[1], bv, esem3)
    r.wait()
    c.wait()
    a.wait()
    b.wait()

    @plsc.parallel_loop(0, EPW, 16, unroll=8)
    def body(k):
        r = rowv[pl.ds(k, 16)]
        c = colv[pl.ds(k, 16)]
        va = plsc.load_gather(av, [c])
        vb = plsc.load_gather(bv, [r])
        d = va + vb
        e = jnp.exp(-d)
        p0 = 1.0 / (1.0 + e)
        p0v[pl.ds(k, 16)] = p0
        p1v[pl.ds(k, 16)] = 1.0 - p0
    pltpu.sync_copy(p0v, out_hbm.at[0, pl.ds(base, EPW)])
    pltpu.sync_copy(p1v, out_hbm.at[1, pl.ds(base, EPW)])


def _edge_call(ei, ab):
    return pl.kernel(
        _edge_body,
        out_type=jax.ShapeDtypeStruct((2, E), F32),
        mesh=_mesh,
        scratch_types=[
            pltpu.VMEM((EPW,), jnp.int32),
            pltpu.VMEM((EPW,), jnp.int32),
            pltpu.VMEM((NP,), F32),
            pltpu.VMEM((NP,), F32),
            pltpu.VMEM((EPW,), F32),
            pltpu.VMEM((EPW,), F32),
            pltpu.SemaphoreType.DMA,
            pltpu.SemaphoreType.DMA,
            pltpu.SemaphoreType.DMA,
            pltpu.SemaphoreType.DMA,
        ],
        compiler_params=pltpu.CompilerParams(
            needs_layout_passes=False, use_tc_tiling_on_sc=False
        ),
    )(ei, ab)


@jax.jit
def kernel(x, edge_index, W1, b1, Wfc, bfc):
    zeros_acc = jnp.zeros((RPT, FH), F32)

    x_pad = jnp.pad(x, ((0, NP - N), (0, 0)))
    deg2 = _deg_call(edge_index)
    y, y2, dinv = _tc1_call(x_pad, W1, deg2)
    s2 = _scat_call(edge_index, y2, zeros_acc)
    ab = _tc2_call(s2, y, dinv, b1, Wfc, bfc)
    return _edge_call(edge_index, ab).T

# --- scband reference (transcript-rebuilt; emitter-appended) ---
"""Pipeline reference for scband-neibor-assigner1-6296422056680 (READ-ONLY COPY).

The authoritative reference and input builder live on the scoring server;
editing this copy changes nothing except your own understanding.
"""

import jax, jax.numpy as jnp
import numpy as np

N_NODES = 10000
N_EDGES = 320000
NFEAT = 128
NHID = 128
NCLASS = 2


def gcn_conv(x, edge_index, W, b):
    # Faithful GCNConv: add self-loops, symmetric normalization D^-1/2 (A+I) D^-1/2 X W + b
    n = x.shape[0]
    loop = jnp.arange(n, dtype=edge_index.dtype)
    row = jnp.concatenate([edge_index[0], loop])
    col = jnp.concatenate([edge_index[1], loop])
    deg = jax.ops.segment_sum(jnp.ones_like(col, dtype=x.dtype), col, num_segments=n)
    dinv = jnp.where(deg > 0, jax.lax.rsqrt(deg), 0.0)
    norm = dinv[row] * dinv[col]
    xw = x @ W
    msgs = xw[row] * norm[:, None]
    out = jax.ops.segment_sum(msgs, col, num_segments=n) + b
    return out


def setup_inputs(seed: int = 0) -> dict:
    key = jax.random.key(seed)
    k1, k2, k3, k4, k5, k6 = jax.random.split(key, 6)
    x = jax.random.normal(k1, (N_NODES, NFEAT), dtype=jnp.float32)
    edge_index = jax.random.randint(k2, (2, N_EDGES), 0, N_NODES, dtype=jnp.int32)
    W1 = jax.random.normal(k3, (NFEAT, NHID), dtype=jnp.float32) * 0.05
    b1 = jnp.zeros((NHID,), dtype=jnp.float32)
    Wfc = jax.random.normal(k4, (2 * NHID, NCLASS), dtype=jnp.float32) * 0.05
    bfc = jnp.zeros((NCLASS,), dtype=jnp.float32)
    return {"x": x, "edge_index": edge_index, "W1": W1, "b1": b1, "Wfc": Wfc, "bfc": bfc}


def reference(x, edge_index, W1, b1, Wfc, bfc):
    # GCN_Body: gc1 then dropout (identity in eval mode); gc2 is defined but unused in forward
    h = gcn_conv(x, edge_index, W1, b1)
    # feats_pair = cat([h[col], h[row]], dim=1) for every edge
    col = edge_index[1]
    row = edge_index[0]
    feats_pair = jnp.concatenate([h[col], h[row]], axis=1)
    logits = feats_pair @ Wfc + bfc
    alpha_score = jax.nn.softmax(logits, axis=1)
    return alpha_score

if __name__ == "__main__":
    import jax
    _d = setup_inputs()
    print(jax.jit(kernel)(*tuple(_d.values())))

</pallas_src>

<mosaic_0001>
#map = affine_map<(d0, d1) -> (0, 0)>
module attributes {stable_mosaic.version = 14 : i64} {
  func.func @_deg_body(%arg0: i32, %arg1: i32, %arg2: memref<2x320000xi32, #tpu.memory_space<hbm>>, %arg3: memref<2x10240xf32, #tpu.memory_space<hbm>>, %arg4: memref<10000xi32, #tpu.memory_space<vmem>>, %arg5: memref<10240xf32, #tpu.memory_space<vmem>>, %arg6: memref<16x640xf32, #tpu.memory_space<vmem>>, %arg7: memref<640xf32, #tpu.memory_space<vmem>>, %arg8: memref<16x10240xf32, #tpu.memory_space<vmem_shared>>) attributes {dimension_semantics = [#tpu.dimension_semantics<core_parallel>, #tpu.dimension_semantics<subcore_parallel>], iteration_bounds = array<i64: 2, 16>, scalar_prefetch = 0 : i64, scratch_operands = 5 : i64, tpu.core_type = #tpu.core_type<sc_vector_subcore>, window_params = [{transform_indices = #map}, {transform_indices = #map}]} {
    %mul3A = arith.constant 2 : i32
    %mul3A_0 = arith.muli %arg1, %mul3A : i32
    %add3A = arith.addi %mul3A_0, %arg0 : i32
    %mul3A_1 = arith.constant 10000 : i32
    %mul3A_2 = arith.muli %add3A, %mul3A_1 : i32
    %run_scoped3A = arith.constant 1 : i32
    "tpu.region"() ({
      %run_scoped3A_27 = tpu.sem_alloc : memref<!tpu.dma_semaphore, #tpu.memory_space<semaphore_mem>>
      %dma_start3A = tpu.memref_slice %arg2[%run_scoped3A, %mul3A_2] : memref<2x320000xi32, #tpu.memory_space<hbm>> -> memref<1x10000xi32, #tpu.memory_space<hbm>>
      %dma_start3A_28 = tpu.memref_squeeze %dma_start3A : memref<1x10000xi32, #tpu.memory_space<hbm>> -> memref<10000xi32, #tpu.memory_space<hbm>>
      %dma_start3A_29 = tpu.memref_slice %arg2[%run_scoped3A, %mul3A_2] : memref<2x320000xi32, #tpu.memory_space<hbm>> -> memref<1x10000xi32, #tpu.memory_space<hbm>>
      %dma_start3A_30 = tpu.memref_squeeze %dma_start3A_29 : memref<1x10000xi32, #tpu.memory_space<hbm>> -> memref<10000xi32, #tpu.memory_space<hbm>>
      tpu.enqueue_dma source(%dma_start3A_30 : memref<10000xi32, #tpu.memory_space<hbm>>) target(%arg4 : memref<10000xi32, #tpu.memory_space<vmem>>) target_semaphore(%run_scoped3A_27 : memref<!tpu.dma_semaphore, #tpu.memory_space<semaphore_mem>>)
      %dma_wait3A = tpu.memref_slice %arg2[%run_scoped3A, %mul3A_2] : memref<2x320000xi32, #tpu.memory_space<hbm>> -> memref<1x10000xi32, #tpu.memory_space<hbm>>
      %dma_wait3A_31 = tpu.memref_squeeze %dma_wait3A : memref<1x10000xi32, #tpu.memory_space<hbm>> -> memref<10000xi32, #tpu.memory_space<hbm>>
      %dma_wait3A_32 = tpu.memref_slice %arg2[%run_scoped3A, %mul3A_2] : memref<2x320000xi32, #tpu.memory_space<hbm>> -> memref<1x10000xi32, #tpu.memory_space<hbm>>
      %dma_wait3A_33 = tpu.memref_squeeze %dma_wait3A_32 : memref<1x10000xi32, #tpu.memory_space<hbm>> -> memref<10000xi32, #tpu.memory_space<hbm>>
      tpu.wait_dma2 semaphore(%run_scoped3A_27 : memref<!tpu.dma_semaphore, #tpu.memory_space<semaphore_mem>>) src(%dma_wait3A_33 : memref<10000xi32, #tpu.memory_space<hbm>>) dst(%arg4 : memref<10000xi32, #tpu.memory_space<vmem>>)
      tpu.yield
    }) : () -> ()
    %broadcast_in_dim3A = arith.constant 0.000000e+00 : f32
    %broadcast_in_dim3A_3 = vector.broadcast %broadcast_in_dim3A : f32 to vector<16xf32>
    %broadcast_in_dim3A_4 = arith.constant 1.000000e+00 : f32
    %broadcast_in_dim3A_5 = vector.broadcast %broadcast_in_dim3A_4 : f32 to vector<16xf32>
    %scan3A = arith.constant 0 : i32
    %scan3A_6 = arith.constant 0 : i32
    %scan3A_7 = arith.constant 640 : i32
    %scan3A_8 = arith.addi %scan3A_6, %scan3A_7 : i32
    %scan3A_9 = arith.constant 1 : i32
    scf.for %scan3A_27 = %scan3A_6 to %scan3A_8 step %scan3A_9  : i32 {
      %mul3A_28 = arith.constant 16 : i32
      %mul3A_29 = arith.muli %scan3A_27, %mul3A_28 : i32
      %swap3A = arith.index_cast %mul3A_29 : i32 to index
      %swap3A_30 = tpu.vector_load %arg5[%swap3A] {strides = array<i32>} : memref<10240xf32, #tpu.memory_space<vmem>>, vector<16xf32>,
      tpu.vector_store %arg5[%swap3A], %broadcast_in_dim3A_3 {strides = array<i32>} : memref<10240xf32, #tpu.memory_space<vmem>>, vector<16xf32>,
    }
    %scan3A_10 = arith.constant 640 : i32
    %scan3A_11 = arith.constant 0 : i32
    %scan3A_12 = arith.constant 0 : i32
    %scan3A_13 = arith.constant 625 : i32
    %scan3A_14 = arith.addi %scan3A_12, %scan3A_13 : i32
    %scan3A_15 = arith.constant 1 : i32
    scf.for %scan3A_27 = %scan3A_12 to %scan3A_14 step %scan3A_15  : i32 {
      %mul3A_28 = arith.constant 16 : i32
      %mul3A_29 = arith.muli %scan3A_27, %mul3A_28 : i32
      %get3A = arith.index_cast %mul3A_29 : i32 to index
      %get3A_30 = tpu.vector_load %arg4[%get3A] {strides = array<i32>} : memref<10000xi32, #tpu.memory_space<vmem>>, vector<16xi32>,
      tpu.vector_store_idx %arg5[%get3A_30], %broadcast_in_dim3A_5 {add = true} : memref<10240xf32, #tpu.memory_space<vmem>>[vector<16xi32>], vector<16xf32>,
    }
    %scan3A_16 = arith.constant 625 : i32
    "tpu.region"() ({
      %run_scoped3A_27 = tpu.sem_alloc : memref<!tpu.dma_semaphore, #tpu.memory_space<semaphore_mem>>
      %dma_start3A = arith.constant 0 : i32
      %dma_start3A_28 = tpu.memref_slice %arg8[%arg1, %dma_start3A] : memref<16x10240xf32, #tpu.memory_space<vmem_shared>> -> memref<1x10240xf32, #tpu.memory_space<vmem_shared>>
      %dma_start3A_29 = tpu.memref_squeeze %dma_start3A_28 : memref<1x10240xf32, #tpu.memory_space<vmem_shared>> -> memref<10240xf32, #tpu.memory_space<vmem_shared>>
      %dma_start3A_30 = arith.constant 0 : i32
      %dma_start3A_31 = tpu.memref_slice %arg8[%arg1, %dma_start3A_30] : memref<16x10240xf32, #tpu.memory_space<vmem_shared>> -> memref<1x10240xf32, #tpu.memory_space<vmem_shared>>
      %dma_start3A_32 = tpu.memref_squeeze %dma_start3A_31 : memref<1x10240xf32, #tpu.memory_space<vmem_shared>> -> memref<10240xf32, #tpu.memory_space<vmem_shared>>
      tpu.enqueue_dma source(%arg5 : memref<10240xf32, #tpu.memory_space<vmem>>) target(%dma_start3A_32 : memref<10240xf32, #tpu.memory_space<vmem_shared>>) target_semaphore(%run_scoped3A_27 : memref<!tpu.dma_semaphore, #tpu.memory_space<semaphore_mem>>)
      %dma_wait3A = arith.constant 0 : i32
      %dma_wait3A_33 = tpu.memref_slice %arg8[%arg1, %dma_wait3A] : memref<16x10240xf32, #tpu.memory_space<vmem_shared>> -> memref<1x10240xf32, #tpu.memory_space<vmem_shared>>
      %dma_wait3A_34 = tpu.memref_squeeze %dma_wait3A_33 : memref<1x10240xf32, #tpu.memory_space<vmem_shared>> -> memref<10240xf32, #tpu.memory_space<vmem_shared>>
      %dma_wait3A_35 = arith.constant 0 : i32
      %dma_wait3A_36 = tpu.memref_slice %arg8[%arg1, %dma_wait3A_35] : memref<16x10240xf32, #tpu.memory_space<vmem_shared>> -> memref<1x10240xf32, #tpu.memory_space<vmem_shared>>
      %dma_wait3A_37 = tpu.memref_squeeze %dma_wait3A_36 : memref<1x10240xf32, #tpu.memory_space<vmem_shared>> -> memref<10240xf32, #tpu.memory_space<vmem_shared>>
      tpu.wait_dma2 semaphore(%run_scoped3A_27 : memref<!tpu.dma_semaphore, #tpu.memory_space<semaphore_mem>>) src(%arg5 : memref<10240xf32, #tpu.memory_space<vmem>>) dst(%dma_wait3A_37 : memref<10240xf32, #tpu.memory_space<vmem_shared>>)
      tpu.yield
    }) : () -> ()
    %barrier3A = arith.constant 0 : index
    tpu.barrier barrier_id(%barrier3A)
    %mul3A_17 = arith.constant 640 : i32
    %mul3A_18 = arith.muli %arg1, %mul3A_17 : i32
    "tpu.region"() ({
      %run_scoped3A_27 = tpu.sem_alloc : memref<!tpu.dma_semaphore, #tpu.memory_space<semaphore_mem>>
      %dma_start3A = arith.constant 0 : i32
      %dma_start3A_28 = tpu.memref_slice %arg8[%dma_start3A, %mul3A_18] : memref<16x10240xf32, #tpu.memory_space<vmem_shared>> -> memref<16x640xf32, #tpu.memory_space<vmem_shared>>
      %dma_start3A_29 = arith.constant 0 : i32
      %dma_start3A_30 = tpu.memref_slice %arg8[%dma_start3A_29, %mul3A_18] : memref<16x10240xf32, #tpu.memory_space<vmem_shared>> -> memref<16x640xf32, #tpu.memory_space<vmem_shared>>
      tpu.enqueue_dma source(%dma_start3A_30 : memref<16x640xf32, #tpu.memory_space<vmem_shared>>) target(%arg6 : memref<16x640xf32, #tpu.memory_space<vmem>>) target_semaphore(%run_scoped3A_27 : memref<!tpu.dma_semaphore, #tpu.memory_space<semaphore_mem>>)
      %dma_wait3A = arith.constant 0 : i32
      %dma_wait3A_31 = tpu.memref_slice %arg8[%dma_wait3A, %mul3A_18] : memref<16x10240xf32, #tpu.memory_space<vmem_shared>> -> memref<16x640xf32, #tpu.memory_space<vmem_shared>>
      %dma_wait3A_32 = arith.constant 0 : i32
      %dma_wait3A_33 = tpu.memref_slice %arg8[%dma_wait3A_32, %mul3A_18] : memref<16x10240xf32, #tpu.memory_space<vmem_shared>> -> memref<16x640xf32, #tpu.memory_space<vmem_shared>>
      tpu.wait_dma2 semaphore(%run_scoped3A_27 : memref<!tpu.dma_semaphore, #tpu.memory_space<semaphore_mem>>) src(%dma_wait3A_33 : memref<16x640xf32, #tpu.memory_space<vmem_shared>>) dst(%arg6 : memref<16x640xf32, #tpu.memory_space<vmem>>)
      tpu.yield
    }) : () -> ()
    %scan3A_19 = arith.constant 0 : i32
    %scan3A_20 = arith.constant 0 : i32
    %scan3A_21 = arith.constant 40 : i32
    %scan3A_22 = arith.addi %scan3A_20, %scan3A_21 : i32
    %scan3A_23 = arith.constant 1 : i32
    scf.for %scan3A_27 = %scan3A_20 to %scan3A_22 step %scan3A_23  : i32 {
      %mul3A_28 = arith.constant 16 : i32
      %mul3A_29 = arith.muli %scan3A_27, %mul3A_28 : i32
      %get3A = arith.constant 0 : i32
      %get3A_30 = arith.index_cast %get3A : i32 to index
      %get3A_31 = arith.index_cast %mul3A_29 : i32 to index
      %get3A_32 = tpu.vector_load %arg6[%get3A_30, %get3A_31] {strides = array<i32>} : memref<16x640xf32, #tpu.memory_space<vmem>>, vector<16xf32>,
      %mul3A_33 = arith.constant 16 : i32
      %mul3A_34 = arith.muli %scan3A_27, %mul3A_33 : i32
      %get3A_35 = arith.constant 1 : i32
      %get3A_36 = arith.index_cast %get3A_35 : i32 to index
      %get3A_37 = arith.index_cast %mul3A_34 : i32 to index
      %get3A_38 = tpu.vector_load %arg6[%get3A_36, %get3A_37] {strides = array<i32>} : memref<16x640xf32, #tpu.memory_space<vmem>>, vector<16xf32>,
      %add3A_39 = arith.addf %get3A_32, %get3A_38 : vector<16xf32>
      %mul3A_40 = arith.constant 16 : i32
      %mul3A_41 = arith.muli %scan3A_27, %mul3A_40 : i32
      %get3A_42 = arith.constant 2 : i32
      %get3A_43 = arith.index_cast %get3A_42 : i32 to index
      %get3A_44 = arith.index_cast %mul3A_41 : i32 to index
      %get3A_45 = tpu.vector_load %arg6[%get3A_43, %get3A_44] {strides = array<i32>} : memref<16x640xf32, #tpu.memory_space<vmem>>, vector<16xf32>,
      %add3A_46 = arith.addf %add3A_39, %get3A_45 : vector<16xf32>
      %mul3A_47 = arith.constant 16 : i32
      %mul3A_48 = arith.muli %scan3A_27, %mul3A_47 : i32
      %get3A_49 = arith.constant 3 : i32
      %get3A_50 = arith.index_cast %get3A_49 : i32 to index
      %get3A_51 = arith.index_cast %mul3A_48 : i32 to index
      %get3A_52 = tpu.vector_load %arg6[%get3A_50, %get3A_51] {strides = array<i32>} : memref<16x640xf32, #tpu.memory_space<vmem>>, vector<16xf32>,
      %add3A_53 = arith.addf %add3A_46, %get3A_52 : vector<16xf32>
      %mul3A_54 = arith.constant 16 : i32
      %mul3A_55 = arith.muli %scan3A_27, %mul3A_54 : i32
      %get3A_56 = arith.constant 4 : i32
      %get3A_57 = arith.index_cast %get3A_56 : i32 to index
      %get3A_58 = arith.index_cast %mul3A_55 : i32 to index
      %get3A_59 = tpu.vector_load %arg6[%get3A_57, %get3A_58] {strides = array<i32>} : memref<16x640xf32, #tpu.memory_space<vmem>>, vector<16xf32>,
      %add3A_60 = arith.addf %add3A_53, %get3A_59 : vector<16xf32>
      %mul3A_61 = arith.constant 16 : i32
      %mul3A_62 = arith.muli %scan3A_27, %mul3A_61 : i32
      %get3A_63 = arith.constant 5 : i32
      %get3A_64 = arith.index_cast %get3A_63 : i32 to index
      %get3A_65 = arith.index_cast %mul3A_62 : i32 to index
      %get3A_66 = tpu.vector_load %arg6[%get3A_64, %get3A_65] {strides = array<i32>} : memref<16x640xf32, #tpu.memory_space<vmem>>, vector<16xf32>,
      %add3A_67 = arith.addf %add3A_60, %get3A_66 : vector<16xf32>
      %mul3A_68 = arith.constant 16 : i32
      %mul3A_69 = arith.muli %scan3A_27, %mul3A_68 : i32
      %get3A_70 = arith.constant 6 : i32
      %get3A_71 = arith.index_cast %get3A_70 : i32 to index
      %get3A_72 = arith.index_cast %mul3A_69 : i32 to index
      %get3A_73 = tpu.vector_load %arg6[%get3A_71, %get3A_72] {strides = array<i32>} : memref<16x640xf32, #tpu.memory_space<vmem>>, vector<16xf32>,
      %add3A_74 = arith.addf %add3A_67, %get3A_73 : vector<16xf32>
      %mul3A_75 = arith.constant 16 : i32
      %mul3A_76 = arith.muli %scan3A_27, %mul3A_75 : i32
      %get3A_77 = arith.constant 7 : i32
      %get3A_78 = arith.index_cast %get3A_77 : i32 to index
      %get3A_79 = arith.index_cast %mul3A_76 : i32 to index
      %get3A_80 = tpu.vector_load %arg6[%get3A_78, %get3A_79] {strides = array<i32>} : memref<16x640xf32, #tpu.memory_space<vmem>>, vector<16xf32>,
      %add3A_81 = arith.addf %add3A_74, %get3A_80 : vector<16xf32>
      %mul3A_82 = arith.constant 16 : i32
      %mul3A_83 = arith.muli %scan3A_27, %mul3A_82 : i32
      %get3A_84 = arith.constant 8 : i32
      %get3A_85 = arith.index_cast %get3A_84 : i32 to index
      %get3A_86 = arith.index_cast %mul3A_83 : i32 to index
      %get3A_87 = tpu.vector_load %arg6[%get3A_85, %get3A_86] {strides = array<i32>} : memref<16x640xf32, #tpu.memory_space<vmem>>, vector<16xf32>,
      %add3A_88 = arith.addf %add3A_81, %get3A_87 : vector<16xf32>
      %mul3A_89 = arith.constant 16 : i32
      %mul3A_90 = arith.muli %scan3A_27, %mul3A_89 : i32
      %get3A_91 = arith.constant 9 : i32
      %get3A_92 = arith.index_cast %get3A_91 : i32 to index
      %get3A_93 = arith.index_cast %mul3A_90 : i32 to index
      %get3A_94 = tpu.vector_load %arg6[%get3A_92, %get3A_93] {strides = array<i32>} : memref<16x640xf32, #tpu.memory_space<vmem>>, vector<16xf32>,
      %add3A_95 = arith.addf %add3A_88, %get3A_94 : vector<16xf32>
      %mul3A_96 = arith.constant 16 : i32
      %mul3A_97 = arith.muli %scan3A_27, %mul3A_96 : i32
      %get3A_98 = arith.constant 10 : i32
      %get3A_99 = arith.index_cast %get3A_98 : i32 to index
      %get3A_100 = arith.index_cast %mul3A_97 : i32 to index
      %get3A_101 = tpu.vector_load %arg6[%get3A_99, %get3A_100] {strides = array<i32>} : memref<16x640xf32, #tpu.memory_space<vmem>>, vector<16xf32>,
      %add3A_102 = arith.addf %add3A_95, %get3A_101 : vector<16xf32>
      %mul3A_103 = arith.constant 16 : i32
      %mul3A_104 = arith.muli %scan3A_27, %mul3A_103 : i32
      %get3A_105 = arith.constant 11 : i32
      %get3A_106 = arith.index_cast %get3A_105 : i32 to index
      %get3A_107 = arith.index_cast %mul3A_104 : i32 to index
      %get3A_108 = tpu.vector_load %arg6[%get3A_106, %get3A_107] {strides = array<i32>} : memref<16x640xf32, #tpu.memory_space<vmem>>, vector<16xf32>,
      %add3A_109 = arith.addf %add3A_102, %get3A_108 : vector<16xf32>
      %mul3A_110 = arith.constant 16 : i32
      %mul3A_111 = arith.muli %scan3A_27, %mul3A_110 : i32
      %get3A_112 = arith.constant 12 : i32
      %get3A_113 = arith.index_cast %get3A_112 : i32 to index
      %get3A_114 = arith.index_cast %mul3A_111 : i32 to index
      %get3A_115 = tpu.vector_load %arg6[%get3A_113, %get3A_114] {strides = array<i32>} : memref<16x640xf32, #tpu.memory_space<vmem>>, vector<16xf32>,
      %add3A_116 = arith.addf %add3A_109, %get3A_115 : vector<16xf32>
      %mul3A_117 = arith.constant 16 : i32
      %mul3A_118 = arith.muli %scan3A_27, %mul3A_117 : i32
      %get3A_119 = arith.constant 13 : i32
      %get3A_120 = arith.index_cast %get3A_119 : i32 to index
      %get3A_121 = arith.index_cast %mul3A_118 : i32 to index
      %get3A_122 = tpu.vector_load %arg6[%get3A_120, %get3A_121] {strides = array<i32>} : memref<16x640xf32, #tpu.memory_space<vmem>>, vector<16xf32>,
      %add3A_123 = arith.addf %add3A_116, %get3A_122 : vector<16xf32>
      %mul3A_124 = arith.constant 16 : i32
      %mul3A_125 = arith.muli %scan3A_27, %mul3A_124 : i32
      %get3A_126 = arith.constant 14 : i32
      %get3A_127 = arith.index_cast %get3A_126 : i32 to index
      %get3A_128 = arith.index_cast %mul3A_125 : i32 to index
      %get3A_129 = tpu.vector_load %arg6[%get3A_127, %get3A_128] {strides = array<i32>} : memref<16x640xf32, #tpu.memory_space<vmem>>, vector<16xf32>,
      %add3A_130 = arith.addf %add3A_123, %get3A_129 : vector<16xf32>
      %mul3A_131 = arith.constant 16 : i32
      %mul3A_132 = arith.muli %scan3A_27, %mul3A_131 : i32
      %get3A_133 = arith.constant 15 : i32
      %get3A_134 = arith.index_cast %get3A_133 : i32 to index
      %get3A_135 = arith.index_cast %mul3A_132 : i32 to index
      %get3A_136 = tpu.vector_load %arg6[%get3A_134, %get3A_135] {strides = array<i32>} : memref<16x640xf32, #tpu.memory_space<vmem>>, vector<16xf32>,
      %add3A_137 = arith.addf %add3A_130, %get3A_136 : vector<16xf32>
      %mul3A_138 = arith.constant 16 : i32
      %mul3A_139 = arith.muli %scan3A_27, %mul3A_138 : i32
      %swap3A = arith.index_cast %mul3A_139 : i32 to index
      %swap3A_140 = tpu.vector_load %arg7[%swap3A] {strides = array<i32>} : memref<640xf32, #tpu.memory_space<vmem>>, vector<16xf32>,
      tpu.vector_store %arg7[%swap3A], %add3A_137 {strides = array<i32>} : memref<640xf32, #tpu.memory_space<vmem>>, vector<16xf32>,
    }
    %scan3A_24 = arith.constant 40 : i32
    %mul3A_25 = arith.constant 640 : i32
    %mul3A_26 = arith.muli %arg1, %mul3A_25 : i32
    "tpu.region"() ({
      %run_scoped3A_27 = tpu.sem_alloc : memref<!tpu.dma_semaphore, #tpu.memory_space<semaphore_mem>>
      %dma_start3A = tpu.memref_slice %arg3[%arg0, %mul3A_26] : memref<2x10240xf32, #tpu.memory_space<hbm>> -> memref<1x640xf32, #tpu.memory_space<hbm>>
      %dma_start3A_28 = tpu.memref_squeeze %dma_start3A : memref<1x640xf32, #tpu.memory_space<hbm>> -> memref<640xf32, #tpu.memory_space<hbm>>
      %dma_start3A_29 = tpu.memref_slice %arg3[%arg0, %mul3A_26] : memref<2x10240xf32, #tpu.memory_space<hbm>> -> memref<1x640xf32, #tpu.memory_space<hbm>>
      %dma_start3A_30 = tpu.memref_squeeze %dma_start3A_29 : memref<1x640xf32, #tpu.memory_space<hbm>> -> memref<640xf32, #tpu.memory_space<hbm>>
      tpu.enqueue_dma source(%arg7 : memref<640xf32, #tpu.memory_space<vmem>>) target(%dma_start3A_30 : memref<640xf32, #tpu.memory_space<hbm>>) target_semaphore(%run_scoped3A_27 : memref<!tpu.dma_semaphore, #tpu.memory_space<semaphore_mem>>)
      %dma_wait3A = tpu.memref_slice %arg3[%arg0, %mul3A_26] : memref<2x10240xf32, #tpu.memory_space<hbm>> -> memref<1x640xf32, #tpu.memory_space<hbm>>
      %dma_wait3A_31 = tpu.memref_squeeze %dma_wait3A : memref<1x640xf32, #tpu.memory_space<hbm>> -> memref<640xf32, #tpu.memory_space<hbm>>
      %dma_wait3A_32 = tpu.memref_slice %arg3[%arg0, %mul3A_26] : memref<2x10240xf32, #tpu.memory_space<hbm>> -> memref<1x640xf32, #tpu.memory_space<hbm>>
      %dma_wait3A_33 = tpu.memref_squeeze %dma_wait3A_32 : memref<1x640xf32, #tpu.memory_space<hbm>> -> memref<640xf32, #tpu.memory_space<hbm>>
      tpu.wait_dma2 semaphore(%run_scoped3A_27 : memref<!tpu.dma_semaphore, #tpu.memory_space<semaphore_mem>>) src(%arg7 : memref<640xf32, #tpu.memory_space<vmem>>) dst(%dma_wait3A_33 : memref<640xf32, #tpu.memory_space<hbm>>)
      tpu.yield
    }) : () -> ()
    return
  }
}

#map = affine_map<(d0, d1) -> (0, 0)>
module attributes {stable_mosaic.version = 14 : i64} {
  func.func @_edge_body(%arg0: i32, %arg1: i32, %arg2: memref<2x320000xi32, #tpu.memory_space<hbm>>, %arg3: memref<2x10240xf32, #tpu.memory_space<hbm>>, %arg4: memref<2x320000xf32, #tpu.memory_space<hbm>>, %arg5: memref<10000xi32, #tpu.memory_space<vmem>>, %arg6: memref<10000xi32, #tpu.memory_space<vmem>>, %arg7: memref<10240xf32, #tpu.memory_space<vmem>>, %arg8: memref<10240xf32, #tpu.memory_space<vmem>>, %arg9: memref<10000xf32, #tpu.memory_space<vmem>>, %arg10: memref<10000xf32, #tpu.memory_space<vmem>>, %arg11: memref<!tpu.dma_semaphore, #tpu.memory_space<semaphore_mem>>, %arg12: memref<!tpu.dma_semaphore, #tpu.memory_space<semaphore_mem>>, %arg13: memref<!tpu.dma_semaphore, #tpu.memory_space<semaphore_mem>>, %arg14: memref<!tpu.dma_semaphore, #tpu.memory_space<semaphore_mem>>) attributes {dimension_semantics = [#tpu.dimension_semantics<core_parallel>, #tpu.dimension_semantics<subcore_parallel>], iteration_bounds = array<i64: 2, 16>, scalar_prefetch = 0 : i64, scratch_operands = 10 : i64, tpu.core_type = #tpu.core_type<sc_vector_subcore>, window_params = [{transform_indices = #map}, {transform_indices = #map}, {transform_indices = #map}]} {
    %mul3A = arith.constant 2 : i32
    %mul3A_0 = arith.muli %arg1, %mul3A : i32
    %add3A = arith.addi %mul3A_0, %arg0 : i32
    %mul3A_1 = arith.constant 10000 : i32
    %mul3A_2 = arith.muli %add3A, %mul3A_1 : i32
    %dma_start3A = arith.constant 0 : i32
    %dma_start3A_3 = tpu.memref_slice %arg2[%dma_start3A, %mul3A_2] : memref<2x320000xi32, #tpu.memory_space<hbm>> -> memref<1x10000xi32, #tpu.memory_space<hbm>>
    %dma_start3A_4 = tpu.memref_squeeze %dma_start3A_3 : memref<1x10000xi32, #tpu.memory_space<hbm>> -> memref<10000xi32, #tpu.memory_space<hbm>>
    %dma_start3A_5 = tpu.memref_slice %arg2[%dma_start3A, %mul3A_2] : memref<2x320000xi32, #tpu.memory_space<hbm>> -> memref<1x10000xi32, #tpu.memory_space<hbm>>
    %dma_start3A_6 = tpu.memref_squeeze %dma_start3A_5 : memref<1x10000xi32, #tpu.memory_space<hbm>> -> memref<10000xi32, #tpu.memory_space<hbm>>
    tpu.enqueue_dma source(%dma_start3A_6 : memref<10000xi32, #tpu.memory_space<hbm>>) target(%arg5 : memref<10000xi32, #tpu.memory_space<vmem>>) target_semaphore(%arg11 : memref<!tpu.dma_semaphore, #tpu.memory_space<semaphore_mem>>)
    %dma_start3A_7 = arith.constant 1 : i32
    %dma_start3A_8 = tpu.memref_slice %arg2[%dma_start3A_7, %mul3A_2] : memref<2x320000xi32, #tpu.memory_space<hbm>> -> memref<1x10000xi32, #tpu.memory_space<hbm>>
    %dma_start3A_9 = tpu.memref_squeeze %dma_start3A_8 : memref<1x10000xi32, #tpu.memory_space<hbm>> -> memref<10000xi32, #tpu.memory_space<hbm>>
    %dma_start3A_10 = tpu.memref_slice %arg2[%dma_start3A_7, %mul3A_2] : memref<2x320000xi32, #tpu.memory_space<hbm>> -> memref<1x10000xi32, #tpu.memory_space<hbm>>
    %dma_start3A_11 = tpu.memref_squeeze %dma_start3A_10 : memref<1x10000xi32, #tpu.memory_space<hbm>> -> memref<10000xi32, #tpu.memory_space<hbm>>
    tpu.enqueue_dma source(%dma_start3A_11 : memref<10000xi32, #tpu.memory_space<hbm>>) target(%arg6 : memref<10000xi32, #tpu.memory_space<vmem>>) target_semaphore(%arg12 : memref<!tpu.dma_semaphore, #tpu.memory_space<semaphore_mem>>)
    %dma_start3A_12 = arith.constant 0 : i32
    %dma_start3A_13 = arith.constant 0 : i32
    %dma_start3A_14 = tpu.memref_slice %arg3[%dma_start3A_12, %dma_start3A_13] : memref<2x10240xf32, #tpu.memory_space<hbm>> -> memref<1x10240xf32, #tpu.memory_space<hbm>>
    %dma_start3A_15 = tpu.memref_squeeze %dma_start3A_14 : memref<1x10240xf32, #tpu.memory_space<hbm>> -> memref<10240xf32, #tpu.memory_space<hbm>>
    %dma_start3A_16 = arith.constant 0 : i32
    %dma_start3A_17 = tpu.memref_slice %arg3[%dma_start3A_12, %dma_start3A_16] : memref<2x10240xf32, #tpu.memory_space<hbm>> -> memref<1x10240xf32, #tpu.memory_space<hbm>>
    %dma_start3A_18 = tpu.memref_squeeze %dma_start3A_17 : memref<1x10240xf32, #tpu.memory_space<hbm>> -> memref<10240xf32, #tpu.memory_space<hbm>>
    tpu.enqueue_dma source(%dma_start3A_18 : memref<10240xf32, #tpu.memory_space<hbm>>) target(%arg7 : memref<10240xf32, #tpu.memory_space<vmem>>) target_semaphore(%arg13 : memref<!tpu.dma_semaphore, #tpu.memory_space<semaphore_mem>>)
    %dma_start3A_19 = arith.constant 1 : i32
    %dma_start3A_20 = arith.constant 0 : i32
    %dma_start3A_21 = tpu.memref_slice %arg3[%dma_start3A_19, %dma_start3A_20] : memref<2x10240xf32, #tpu.memory_space<hbm>> -> memref<1x10240xf32, #tpu.memory_space<hbm>>
    %dma_start3A_22 = tpu.memref_squeeze %dma_start3A_21 : memref<1x10240xf32, #tpu.memory_space<hbm>> -> memref<10240xf32, #tpu.memory_space<hbm>>
    %dma_start3A_23 = arith.constant 0 : i32
    %dma_start3A_24 = tpu.memref_slice %arg3[%dma_start3A_19, %dma_start3A_23] : memref<2x10240xf32, #tpu.memory_space<hbm>> -> memref<1x10240xf32, #tpu.memory_space<hbm>>
    %dma_start3A_25 = tpu.memref_squeeze %dma_start3A_24 : memref<1x10240xf32, #tpu.memory_space<hbm>> -> memref<10240xf32, #tpu.memory_space<hbm>>
    tpu.enqueue_dma source(%dma_start3A_25 : memref<10240xf32, #tpu.memory_space<hbm>>) target(%arg8 : memref<10240xf32, #tpu.memory_space<vmem>>) target_semaphore(%arg14 : memref<!tpu.dma_semaphore, #tpu.memory_space<semaphore_mem>>)
    %dma_wait3A = arith.constant 0 : i32
    %dma_wait3A_26 = tpu.memref_slice %arg2[%dma_wait3A, %mul3A_2] : memref<2x320000xi32, #tpu.memory_space<hbm>> -> memref<1x10000xi32, #tpu.memory_space<hbm>>
    %dma_wait3A_27 = tpu.memref_squeeze %dma_wait3A_26 : memref<1x10000xi32, #tpu.memory_space<hbm>> -> memref<10000xi32, #tpu.memory_space<hbm>>
    %dma_wait3A_28 = tpu.memref_slice %arg2[%dma_wait3A, %mul3A_2] : memref<2x320000xi32, #tpu.memory_space<hbm>> -> memref<1x10000xi32, #tpu.memory_space<hbm>>
    %dma_wait3A_29 = tpu.memref_squeeze %dma_wait3A_28 : memref<1x10000xi32, #tpu.memory_space<hbm>> -> memref<10000xi32, #tpu.memory_space<hbm>>
    tpu.wait_dma2 semaphore(%arg11 : memref<!tpu.dma_semaphore, #tpu.memory_space<semaphore_mem>>) src(%dma_wait3A_29 : memref<10000xi32, #tpu.memory_space<hbm>>) dst(%arg5 : memref<10000xi32, #tpu.memory_space<vmem>>)
    %dma_wait3A_30 = arith.constant 1 : i32
    %dma_wait3A_31 = tpu.memref_slice %arg2[%dma_wait3A_30, %mul3A_2] : memref<2x320000xi32, #tpu.memory_space<hbm>> -> memref<1x10000xi32, #tpu.memory_space<hbm>>
    %dma_wait3A_32 = tpu.memref_squeeze %dma_wait3A_31 : memref<1x10000xi32, #tpu.memory_space<hbm>> -> memref<10000xi32, #tpu.memory_space<hbm>>
    %dma_wait3A_33 = tpu.memref_slice %arg2[%dma_wait3A_30, %mul3A_2] : memref<2x320000xi32, #tpu.memory_space<hbm>> -> memref<1x10000xi32, #tpu.memory_space<hbm>>
    %dma_wait3A_34 = tpu.memref_squeeze %dma_wait3A_33 : memref<1x10000xi32, #tpu.memory_space<hbm>> -> memref<10000xi32, #tpu.memory_space<hbm>>
    tpu.wait_dma2 semaphore(%arg12 : memref<!tpu.dma_semaphore, #tpu.memory_space<semaphore_mem>>) src(%dma_wait3A_34 : memref<10000xi32, #tpu.memory_space<hbm>>) dst(%arg6 : memref<10000xi32, #tpu.memory_space<vmem>>)
    %dma_wait3A_35 = arith.constant 0 : i32
    %dma_wait3A_36 = arith.constant 0 : i32
    %dma_wait3A_37 = tpu.memref_slice %arg3[%dma_wait3A_35, %dma_wait3A_36] : memref<2x10240xf32, #tpu.memory_space<hbm>> -> memref<1x10240xf32, #tpu.memory_space<hbm>>
    %dma_wait3A_38 = tpu.memref_squeeze %dma_wait3A_37 : memref<1x10240xf32, #tpu.memory_space<hbm>> -> memref<10240xf32, #tpu.memory_space<hbm>>
    %dma_wait3A_39 = arith.constant 0 : i32
    %dma_wait3A_40 = tpu.memref_slice %arg3[%dma_wait3A_35, %dma_wait3A_39] : memref<2x10240xf32, #tpu.memory_space<hbm>> -> memref<1x10240xf32, #tpu.memory_space<hbm>>
    %dma_wait3A_41 = tpu.memref_squeeze %dma_wait3A_40 : memref<1x10240xf32, #tpu.memory_space<hbm>> -> memref<10240xf32, #tpu.memory_space<hbm>>
    tpu.wait_dma2 semaphore(%arg13 : memref<!tpu.dma_semaphore, #tpu.memory_space<semaphore_mem>>) src(%dma_wait3A_41 : memref<10240xf32, #tpu.memory_space<hbm>>) dst(%arg7 : memref<10240xf32, #tpu.memory_space<vmem>>)
    %dma_wait3A_42 = arith.constant 1 : i32
    %dma_wait3A_43 = arith.constant 0 : i32
    %dma_wait3A_44 = tpu.memref_slice %arg3[%dma_wait3A_42, %dma_wait3A_43] : memref<2x10240xf32, #tpu.memory_space<hbm>> -> memref<1x10240xf32, #tpu.memory_space<hbm>>
    %dma_wait3A_45 = tpu.memref_squeeze %dma_wait3A_44 : memref<1x10240xf32, #tpu.memory_space<hbm>> -> memref<10240xf32, #tpu.memory_space<hbm>>
    %dma_wait3A_46 = arith.constant 0 : i32
    %dma_wait3A_47 = tpu.memref_slice %arg3[%dma_wait3A_42, %dma_wait3A_46] : memref<2x10240xf32, #tpu.memory_space<hbm>> -> memref<1x10240xf32, #tpu.memory_space<hbm>>
    %dma_wait3A_48 = tpu.memref_squeeze %dma_wait3A_47 : memref<1x10240xf32, #tpu.memory_space<hbm>> -> memref<10240xf32, #tpu.memory_space<hbm>>
    tpu.wait_dma2 semaphore(%arg14 : memref<!tpu.dma_semaphore, #tpu.memory_space<semaphore_mem>>) src(%dma_wait3A_48 : memref<10240xf32, #tpu.memory_space<hbm>>) dst(%arg8 : memref<10240xf32, #tpu.memory_space<vmem>>)
    %parallel_loop3A = arith.constant 0 : i32
    %parallel_loop3A_49 = arith.constant 10000 : i32
    %parallel_loop3A_50 = arith.constant 16 : i32
    scf.for %parallel_loop3A_52 = %parallel_loop3A to %parallel_loop3A_49 step %parallel_loop3A_50  : i32 {
      %parallel_loop3A_53 = arith.index_cast %parallel_loop3A_52 : i32 to index
      %parallel_loop3A_54 = tpu.vector_load %arg5[%parallel_loop3A_53] {strides = array<i32>} : memref<10000xi32, #tpu.memory_space<vmem>>, vector<16xi32>,
      %parallel_loop3A_55 = arith.index_cast %parallel_loop3A_52 : i32 to index
      %parallel_loop3A_56 = tpu.vector_load %arg6[%parallel_loop3A_55] {strides = array<i32>} : memref<10000xi32, #tpu.memory_space<vmem>>, vector<16xi32>,
      %parallel_loop3A_57 = tpu.vector_load_idx %arg7[%parallel_loop3A_56] : memref<10240xf32, #tpu.memory_space<vmem>>[vector<16xi32>], vector<16xf32>,
      %parallel_loop3A_58 = tpu.vector_load_idx %arg8[%parallel_loop3A_54] : memref<10240xf32, #tpu.memory_space<vmem>>[vector<16xi32>], vector<16xf32>,
      %parallel_loop3A_59 = arith.addf %parallel_loop3A_57, %parallel_loop3A_58 : vector<16xf32>
      %parallel_loop3A_60 = arith.constant 0.000000e+00 : f32
      %parallel_loop3A_61 = vector.broadcast %parallel_loop3A_60 : f32 to vector<16xf32>
      %parallel_loop3A_62 = arith.subf %parallel_loop3A_61, %parallel_loop3A_59 : vector<16xf32>
      %parallel_loop3A_63 = math.exp %parallel_loop3A_62 : vector<16xf32>
      %parallel_loop3A_64 = arith.constant 1.000000e+00 : f32
      %parallel_loop3A_65 = vector.broadcast %parallel_loop3A_64 : f32 to vector<16xf32>
      %parallel_loop3A_66 = arith.addf %parallel_loop3A_65, %parallel_loop3A_63 : vector<16xf32>
      %parallel_loop3A_67 = arith.constant 1.000000e+00 : f32
      %parallel_loop3A_68 = vector.broadcast %parallel_loop3A_67 : f32 to vector<16xf32>
      %parallel_loop3A_69 = arith.divf %parallel_loop3A_68, %parallel_loop3A_66 : vector<16xf32>
      %parallel_loop3A_70 = arith.index_cast %parallel_loop3A_52 : i32 to index
      %parallel_loop3A_71 = tpu.vector_load %arg9[%parallel_loop3A_70] {strides = array<i32>} : memref<10000xf32, #tpu.memory_space<vmem>>, vector<16xf32>,
      tpu.vector_store %arg9[%parallel_loop3A_70], %parallel_loop3A_69 {strides = array<i32>} : memref<10000xf32, #tpu.memory_space<vmem>>, vector<16xf32>,
      %parallel_loop3A_72 = arith.constant 1.000000e+00 : f32
      %parallel_loop3A_73 = vector.broadcast %parallel_loop3A_72 : f32 to vector<16xf32>
      %parallel_loop3A_74 = arith.subf %parallel_loop3A_73, %parallel_loop3A_69 : vector<16xf32>
      %parallel_loop3A_75 = arith.index_cast %parallel_loop3A_52 : i32 to index
      %parallel_loop3A_76 = tpu.vector_load %arg10[%parallel_loop3A_75] {strides = array<i32>} : memref<10000xf32, #tpu.memory_space<vmem>>, vector<16xf32>,
      tpu.vector_store %arg10[%parallel_loop3A_75], %parallel_loop3A_74 {strides = array<i32>} : memref<10000xf32, #tpu.memory_space<vmem>>, vector<16xf32>,
    } {sc.loop_unroll_factor = 8 : i64, sc.parallel_access}
    %run_scoped3A = arith.constant 0 : i32
    "tpu.region"() ({
      %run_scoped3A_52 = tpu.sem_alloc : memref<!tpu.dma_semaphore, #tpu.memory_space<semaphore_mem>>
      %dma_start3A_53 = tpu.memref_slice %arg4[%run_scoped3A, %mul3A_2] : memref<2x320000xf32, #tpu.memory_space<hbm>> -> memref<1x10000xf32, #tpu.memory_space<hbm>>
      %dma_start3A_54 = tpu.memref_squeeze %dma_start3A_53 : memref<1x10000xf32, #tpu.memory_space<hbm>> -> memref<10000xf32, #tpu.memory_space<hbm>>
      %dma_start3A_55 = tpu.memref_slice %arg4[%run_scoped3A, %mul3A_2] : memref<2x320000xf32, #tpu.memory_space<hbm>> -> memref<1x10000xf32, #tpu.memory_space<hbm>>
      %dma_start3A_56 = tpu.memref_squeeze %dma_start3A_55 : memref<1x10000xf32, #tpu.memory_space<hbm>> -> memref<10000xf32, #tpu.memory_space<hbm>>
      tpu.enqueue_dma source(%arg9 : memref<10000xf32, #tpu.memory_space<vmem>>) target(%dma_start3A_56 : memref<10000xf32, #tpu.memory_space<hbm>>) target_semaphore(%run_scoped3A_52 : memref<!tpu.dma_semaphore, #tpu.memory_space<semaphore_mem>>)
      %dma_wait3A_57 = tpu.memref_slice %arg4[%run_scoped3A, %mul3A_2] : memref<2x320000xf32, #tpu.memory_space<hbm>> -> memref<1x10000xf32, #tpu.memory_space<hbm>>
      %dma_wait3A_58 = tpu.memref_squeeze %dma_wait3A_57 : memref<1x10000xf32, #tpu.memory_space<hbm>> -> memref<10000xf32, #tpu.memory_space<hbm>>
      %dma_wait3A_59 = tpu.memref_slice %arg4[%run_scoped3A, %mul3A_2] : memref<2x320000xf32, #tpu.memory_space<hbm>> -> memref<1x10000xf32, #tpu.memory_space<hbm>>
      %dma_wait3A_60 = tpu.memref_squeeze %dma_wait3A_59 : memref<1x10000xf32, #tpu.memory_space<hbm>> -> memref<10000xf32, #tpu.memory_space<hbm>>
      tpu.wait_dma2 semaphore(%run_scoped3A_52 : memref<!tpu.dma_semaphore, #tpu.memory_space<semaphore_mem>>) src(%arg9 : memref<10000xf32, #tpu.memory_space<vmem>>) dst(%dma_wait3A_60 : memref<10000xf32, #tpu.memory_space<hbm>>)
      tpu.yield
    }) : () -> ()
    %run_scoped3A_51 = arith.constant 1 : i32
    "tpu.region"() ({
      %run_scoped3A_52 = tpu.sem_alloc : memref<!tpu.dma_semaphore, #tpu.memory_space<semaphore_mem>>
      %dma_start3A_53 = tpu.memref_slice %arg4[%run_scoped3A_51, %mul3A_2] : memref<2x320000xf32, #tpu.memory_space<hbm>> -> memref<1x10000xf32, #tpu.memory_space<hbm>>
      %dma_start3A_54 = tpu.memref_squeeze %dma_start3A_53 : memref<1x10000xf32, #tpu.memory_space<hbm>> -> memref<10000xf32, #tpu.memory_space<hbm>>
      %dma_start3A_55 = tpu.memref_slice %arg4[%run_scoped3A_51, %mul3A_2] : memref<2x320000xf32, #tpu.memory_space<hbm>> -> memref<1x10000xf32, #tpu.memory_space<hbm>>
      %dma_start3A_56 = tpu.memref_squeeze %dma_start3A_55 : memref<1x10000xf32, #tpu.memory_space<hbm>> -> memref<10000xf32, #tpu.memory_space<hbm>>
      tpu.enqueue_dma source(%arg10 : memref<10000xf32, #tpu.memory_space<vmem>>) target(%dma_start3A_56 : memref<10000xf32, #tpu.memory_space<hbm>>) target_semaphore(%run_scoped3A_52 : memref<!tpu.dma_semaphore, #tpu.memory_space<semaphore_mem>>)
      %dma_wait3A_57 = tpu.memref_slice %arg4[%run_scoped3A_51, %mul3A_2] : memref<2x320000xf32, #tpu.memory_space<hbm>> -> memref<1x10000xf32, #tpu.memory_space<hbm>>
      %dma_wait3A_58 = tpu.memref_squeeze %dma_wait3A_57 : memref<1x10000xf32, #tpu.memory_space<hbm>> -> memref<10000xf32, #tpu.memory_space<hbm>>
      %dma_wait3A_59 = tpu.memref_slice %arg4[%run_scoped3A_51, %mul3A_2] : memref<2x320000xf32, #tpu.memory_space<hbm>> -> memref<1x10000xf32, #tpu.memory_space<hbm>>
      %dma_wait3A_60 = tpu.memref_squeeze %dma_wait3A_59 : memref<1x10000xf32, #tpu.memory_space<hbm>> -> memref<10000xf32, #tpu.memory_space<hbm>>
      tpu.wait_dma2 semaphore(%run_scoped3A_52 : memref<!tpu.dma_semaphore, #tpu.memory_space<semaphore_mem>>) src(%arg10 : memref<10000xf32, #tpu.memory_space<vmem>>) dst(%dma_wait3A_60 : memref<10000xf32, #tpu.memory_space<hbm>>)
      tpu.yield
    }) : () -> ()
    return
  }
}

#map = affine_map<(d0, d1) -> (0, 0)>
#map1 = affine_map<(d0, d1) -> (0, 0, 0)>
module attributes {stable_mosaic.version = 14 : i64} {
  func.func @_scat_body(%arg0: i32, %arg1: i32, %arg2: memref<2x320000xi32, #tpu.memory_space<hbm>>, %arg3: memref<2x10240x64xf32, #tpu.memory_space<hbm>>, %arg4: memref<640x64xf32, #tpu.memory_space<hbm>>, %arg5: memref<2x10240x64xf32, #tpu.memory_space<hbm>>, %arg6: memref<20000xi32, #tpu.memory_space<vmem>>, %arg7: memref<20000xi32, #tpu.memory_space<vmem>>, %arg8: memref<80x64xf32, #tpu.memory_space<vmem>>, %arg9: memref<80x64xf32, #tpu.memory_space<vmem>>, %arg10: memref<10240x64xf32, #tpu.memory_space<vmem_shared>>, %arg11: memref<!tpu.dma_semaphore, #tpu.memory_space<semaphore_mem>>, %arg12: memref<!tpu.dma_semaphore, #tpu.memory_space<semaphore_mem>>, %arg13: memref<!tpu.dma_semaphore, #tpu.memory_space<semaphore_mem>>, %arg14: memref<!tpu.dma_semaphore, #tpu.memory_space<semaphore_mem>>) attributes {dimension_semantics = [#tpu.dimension_semantics<core_parallel>, #tpu.dimension_semantics<subcore_parallel>], iteration_bounds = array<i64: 2, 16>, scalar_prefetch = 0 : i64, scratch_operands = 9 : i64, tpu.core_type = #tpu.core_type<sc_vector_subcore>, window_params = [{transform_indices = #map}, {transform_indices = #map1}, {transform_indices = #map}, {transform_indices = #map1}]} {
    %mul3A = arith.constant 640 : i32
    %mul3A_0 = arith.muli %arg1, %mul3A : i32
    %dma_start3A = arith.constant 0 : i32
    %dma_start3A_1 = tpu.memref_slice %arg10[%mul3A_0, %dma_start3A] : memref<10240x64xf32, #tpu.memory_space<vmem_shared>> -> memref<640x64xf32, #tpu.memory_space<vmem_shared>>
    tpu.enqueue_dma source(%arg4 : memref<640x64xf32, #tpu.memory_space<hbm>>) target(%dma_start3A_1 : memref<640x64xf32, #tpu.memory_space<vmem_shared>>) target_semaphore(%arg13 : memref<!tpu.dma_semaphore, #tpu.memory_space<semaphore_mem>>)
    %mul3A_2 = arith.constant 20000 : i32
    %mul3A_3 = arith.muli %arg1, %mul3A_2 : i32
    %dma_start3A_4 = arith.constant 0 : i32
    %dma_start3A_5 = tpu.memref_slice %arg2[%dma_start3A_4, %mul3A_3] : memref<2x320000xi32, #tpu.memory_space<hbm>> -> memref<1x20000xi32, #tpu.memory_space<hbm>>
    %dma_start3A_6 = tpu.memref_squeeze %dma_start3A_5 : memref<1x20000xi32, #tpu.memory_space<hbm>> -> memref<20000xi32, #tpu.memory_space<hbm>>
    %dma_start3A_7 = tpu.memref_slice %arg2[%dma_start3A_4, %mul3A_3] : memref<2x320000xi32, #tpu.memory_space<hbm>> -> memref<1x20000xi32, #tpu.memory_space<hbm>>
    %dma_start3A_8 = tpu.memref_squeeze %dma_start3A_7 : memref<1x20000xi32, #tpu.memory_space<hbm>> -> memref<20000xi32, #tpu.memory_space<hbm>>
    tpu.enqueue_dma source(%dma_start3A_8 : memref<20000xi32, #tpu.memory_space<hbm>>) target(%arg6 : memref<20000xi32, #tpu.memory_space<vmem>>) target_semaphore(%arg11 : memref<!tpu.dma_semaphore, #tpu.memory_space<semaphore_mem>>)
    %mul3A_9 = arith.constant 20000 : i32
    %mul3A_10 = arith.muli %arg1, %mul3A_9 : i32
    %dma_start3A_11 = arith.constant 1 : i32
    %dma_start3A_12 = tpu.memref_slice %arg2[%dma_start3A_11, %mul3A_10] : memref<2x320000xi32, #tpu.memory_space<hbm>> -> memref<1x20000xi32, #tpu.memory_space<hbm>>
    %dma_start3A_13 = tpu.memref_squeeze %dma_start3A_12 : memref<1x20000xi32, #tpu.memory_space<hbm>> -> memref<20000xi32, #tpu.memory_space<hbm>>
    %dma_start3A_14 = tpu.memref_slice %arg2[%dma_start3A_11, %mul3A_10] : memref<2x320000xi32, #tpu.memory_space<hbm>> -> memref<1x20000xi32, #tpu.memory_space<hbm>>
    %dma_start3A_15 = tpu.memref_squeeze %dma_start3A_14 : memref<1x20000xi32, #tpu.memory_space<hbm>> -> memref<20000xi32, #tpu.memory_space<hbm>>
    tpu.enqueue_dma source(%dma_start3A_15 : memref<20000xi32, #tpu.memory_space<hbm>>) target(%arg7 : memref<20000xi32, #tpu.memory_space<vmem>>) target_semaphore(%arg12 : memref<!tpu.dma_semaphore, #tpu.memory_space<semaphore_mem>>)
    %dma_wait3A = arith.constant 0 : i32
    %dma_wait3A_16 = tpu.memref_slice %arg10[%mul3A_0, %dma_wait3A] : memref<10240x64xf32, #tpu.memory_space<vmem_shared>> -> memref<640x64xf32, #tpu.memory_space<vmem_shared>>
    tpu.wait_dma2 semaphore(%arg13 : memref<!tpu.dma_semaphore, #tpu.memory_space<semaphore_mem>>) src(%arg4 : memref<640x64xf32, #tpu.memory_space<hbm>>) dst(%dma_wait3A_16 : memref<640x64xf32, #tpu.memory_space<vmem_shared>>)
    %dma_wait3A_17 = arith.constant 0 : i32
    %dma_wait3A_18 = tpu.memref_slice %arg2[%dma_wait3A_17, %mul3A_3] : memref<2x320000xi32, #tpu.memory_space<hbm>> -> memref<1x20000xi32, #tpu.memory_space<hbm>>
    %dma_wait3A_19 = tpu.memref_squeeze %dma_wait3A_18 : memref<1x20000xi32, #tpu.memory_space<hbm>> -> memref<20000xi32, #tpu.memory_space<hbm>>
    %dma_wait3A_20 = tpu.memref_slice %arg2[%dma_wait3A_17, %mul3A_3] : memref<2x320000xi32, #tpu.memory_space<hbm>> -> memref<1x20000xi32, #tpu.memory_space<hbm>>
    %dma_wait3A_21 = tpu.memref_squeeze %dma_wait3A_20 : memref<1x20000xi32, #tpu.memory_space<hbm>> -> memref<20000xi32, #tpu.memory_space<hbm>>
    tpu.wait_dma2 semaphore(%arg11 : memref<!tpu.dma_semaphore, #tpu.memory_space<semaphore_mem>>) src(%dma_wait3A_21 : memref<20000xi32, #tpu.memory_space<hbm>>) dst(%arg6 : memref<20000xi32, #tpu.memory_space<vmem>>)
    %dma_wait3A_22 = arith.constant 1 : i32
    %dma_wait3A_23 = tpu.memref_slice %arg2[%dma_wait3A_22, %mul3A_10] : memref<2x320000xi32, #tpu.memory_space<hbm>> -> memref<1x20000xi32, #tpu.memory_space<hbm>>
    %dma_wait3A_24 = tpu.memref_squeeze %dma_wait3A_23 : memref<1x20000xi32, #tpu.memory_space<hbm>> -> memref<20000xi32, #tpu.memory_space<hbm>>
    %dma_wait3A_25 = tpu.memref_slice %arg2[%dma_wait3A_22, %mul3A_10] : memref<2x320000xi32, #tpu.memory_space<hbm>> -> memref<1x20000xi32, #tpu.memory_space<hbm>>
    %dma_wait3A_26 = tpu.memref_squeeze %dma_wait3A_25 : memref<1x20000xi32, #tpu.memory_space<hbm>> -> memref<20000xi32, #tpu.memory_space<hbm>>
    tpu.wait_dma2 semaphore(%arg12 : memref<!tpu.dma_semaphore, #tpu.memory_space<semaphore_mem>>) src(%dma_wait3A_26 : memref<20000xi32, #tpu.memory_space<hbm>>) dst(%arg7 : memref<20000xi32, #tpu.memory_space<vmem>>)
    %barrier3A = arith.constant 0 : index
    tpu.barrier barrier_id(%barrier3A)
    %dma_start3A_27 = arith.constant 0 : i32
    %dma_start3A_28 = tpu.memref_slice %arg6[%dma_start3A_27] : memref<20000xi32, #tpu.memory_space<vmem>> -> memref<80xi32, #tpu.memory_space<vmem>>
    %dma_start3A_29 = arith.constant 0 : i32
    %dma_start3A_30 = arith.constant 0 : i32
    %dma_start3A_31 = tpu.memref_slice %arg3[%arg0, %dma_start3A_29, %dma_start3A_30] : memref<2x10240x64xf32, #tpu.memory_space<hbm>> -> memref<1x10240x64xf32, #tpu.memory_space<hbm>>
    %dma_start3A_32 = tpu.memref_squeeze %dma_start3A_31 : memref<1x10240x64xf32, #tpu.memory_space<hbm>> -> memref<10240x64xf32, #tpu.memory_space<hbm>>
    %dma_start3A_33 = arith.constant 0 : i32
    %dma_start3A_34 = arith.constant 0 : i32
    %dma_start3A_35 = tpu.memref_slice %dma_start3A_32[%dma_start3A_33, %dma_start3A_34] : memref<10240x64xf32, #tpu.memory_space<hbm>> -> memref<10240x64xf32, #tpu.memory_space<hbm>>
    tpu.enqueue_indirect_dma source(%dma_start3A_35 : memref<10240x64xf32, #tpu.memory_space<hbm>>) target(%arg8 : memref<80x64xf32, #tpu.memory_space<vmem>>) offsets(%dma_start3A_28 : memref<80xi32, #tpu.memory_space<vmem>>) semaphore(%arg11 : memref<!tpu.dma_semaphore, #tpu.memory_space<semaphore_mem>>)
    %dma_start3A_36 = arith.constant 80 : i32
    %dma_start3A_37 = tpu.memref_slice %arg6[%dma_start3A_36] : memref<20000xi32, #tpu.memory_space<vmem>> -> memref<80xi32, #tpu.memory_space<vmem>>
    %dma_start3A_38 = arith.constant 0 : i32
    %dma_start3A_39 = arith.constant 0 : i32
    %dma_start3A_40 = tpu.memref_slice %arg3[%arg0, %dma_start3A_38, %dma_start3A_39] : memref<2x10240x64xf32, #tpu.memory_space<hbm>> -> memref<1x10240x64xf32, #tpu.memory_space<hbm>>
    %dma_start3A_41 = tpu.memref_squeeze %dma_start3A_40 : memref<1x10240x64xf32, #tpu.memory_space<hbm>> -> memref<10240x64xf32, #tpu.memory_space<hbm>>
    %dma_start3A_42 = arith.constant 0 : i32
    %dma_start3A_43 = arith.constant 0 : i32
    %dma_start3A_44 = tpu.memref_slice %dma_start3A_41[%dma_start3A_42, %dma_start3A_43] : memref<10240x64xf32, #tpu.memory_space<hbm>> -> memref<10240x64xf32, #tpu.memory_space<hbm>>
    tpu.enqueue_indirect_dma source(%dma_start3A_44 : memref<10240x64xf32, #tpu.memory_space<hbm>>) target(%arg9 : memref<80x64xf32, #tpu.memory_space<vmem>>) offsets(%dma_start3A_37 : memref<80xi32, #tpu.memory_space<vmem>>) semaphore(%arg12 : memref<!tpu.dma_semaphore, #tpu.memory_space<semaphore_mem>>)
    %scan3A = arith.constant 0 : i32
    %scan3A_45 = arith.constant 0 : i32
    %scan3A_46 = arith.constant 124 : i32
    %scan3A_47 = arith.addi %scan3A_45, %scan3A_46 : i32
    %scan3A_48 = arith.constant 1 : i32
    scf.for %scan3A_93 = %scan3A_45 to %scan3A_47 step %scan3A_48  : i32 {
      %mul3A_94 = arith.constant 2 : i32
      %mul3A_95 = arith.muli %scan3A_93, %mul3A_94 : i32
      %mul3A_96 = arith.constant 80 : i32
      %mul3A_97 = arith.muli %mul3A_95, %mul3A_96 : i32
      %add3A = arith.constant 80 : i32
      %add3A_98 = arith.addi %mul3A_97, %add3A : i32
      %dma_wait3A_99 = tpu.memref_slice %arg6[%mul3A_97] : memref<20000xi32, #tpu.memory_space<vmem>> -> memref<80xi32, #tpu.memory_space<vmem>>
      %dma_wait3A_100 = arith.constant 0 : i32
      %dma_wait3A_101 = arith.constant 0 : i32
      %dma_wait3A_102 = tpu.memref_slice %arg3[%arg0, %dma_wait3A_100, %dma_wait3A_101] : memref<2x10240x64xf32, #tpu.memory_space<hbm>> -> memref<1x10240x64xf32, #tpu.memory_space<hbm>>
      %dma_wait3A_103 = tpu.memref_squeeze %dma_wait3A_102 : memref<1x10240x64xf32, #tpu.memory_space<hbm>> -> memref<10240x64xf32, #tpu.memory_space<hbm>>
      %dma_wait3A_104 = arith.constant 0 : i32
      %dma_wait3A_105 = arith.constant 0 : i32
      %dma_wait3A_106 = tpu.memref_slice %dma_wait3A_103[%dma_wait3A_104, %dma_wait3A_105] : memref<10240x64xf32, #tpu.memory_space<hbm>> -> memref<10240x64xf32, #tpu.memory_space<hbm>>
      tpu.wait_indirect_dma semaphore(%arg11 : memref<!tpu.dma_semaphore, #tpu.memory_space<semaphore_mem>>) src(%dma_wait3A_106 : memref<10240x64xf32, #tpu.memory_space<hbm>>) dst(%arg8 : memref<80x64xf32, #tpu.memory_space<vmem>>)
      %dma_start3A_107 = tpu.memref_slice %arg7[%mul3A_97] : memref<20000xi32, #tpu.memory_space<vmem>> -> memref<80xi32, #tpu.memory_space<vmem>>
      %dma_start3A_108 = arith.constant 0 : i32
      %dma_start3A_109 = arith.constant 0 : i32
      %dma_start3A_110 = tpu.memref_slice %arg10[%dma_start3A_108, %dma_start3A_109] : memref<10240x64xf32, #tpu.memory_space<vmem_shared>> -> memref<10240x64xf32, #tpu.memory_space<vmem_shared>>
      tpu.enqueue_indirect_dma source(%arg8 : memref<80x64xf32, #tpu.memory_space<vmem>>) target(%dma_start3A_110 : memref<10240x64xf32, #tpu.memory_space<vmem_shared>>) offsets(%dma_start3A_107 : memref<80xi32, #tpu.memory_space<vmem>>) semaphore(%arg13 : memref<!tpu.dma_semaphore, #tpu.memory_space<semaphore_mem>>) {add = true}
      %dma_wait3A_111 = tpu.memref_slice %arg6[%add3A_98] : memref<20000xi32, #tpu.memory_space<vmem>> -> memref<80xi32, #tpu.memory_space<vmem>>
      %dma_wait3A_112 = arith.constant 0 : i32
      %dma_wait3A_113 = arith.constant 0 : i32
      %dma_wait3A_114 = tpu.memref_slice %arg3[%arg0, %dma_wait3A_112, %dma_wait3A_113] : memref<2x10240x64xf32, #tpu.memory_space<hbm>> -> memref<1x10240x64xf32, #tpu.memory_space<hbm>>
      %dma_wait3A_115 = tpu.memref_squeeze %dma_wait3A_114 : memref<1x10240x64xf32, #tpu.memory_space<hbm>> -> memref<10240x64xf32, #tpu.memory_space<hbm>>
      %dma_wait3A_116 = arith.constant 0 : i32
      %dma_wait3A_117 = arith.constant 0 : i32
      %dma_wait3A_118 = tpu.memref_slice %dma_wait3A_115[%dma_wait3A_116, %dma_wait3A_117] : memref<10240x64xf32, #tpu.memory_space<hbm>> -> memref<10240x64xf32, #tpu.memory_space<hbm>>
      tpu.wait_indirect_dma semaphore(%arg12 : memref<!tpu.dma_semaphore, #tpu.memory_space<semaphore_mem>>) src(%dma_wait3A_118 : memref<10240x64xf32, #tpu.memory_space<hbm>>) dst(%arg9 : memref<80x64xf32, #tpu.memory_space<vmem>>)
      %dma_start3A_119 = tpu.memref_slice %arg7[%add3A_98] : memref<20000xi32, #tpu.memory_space<vmem>> -> memref<80xi32, #tpu.memory_space<vmem>>
      %dma_start3A_120 = arith.constant 0 : i32
      %dma_start3A_121 = arith.constant 0 : i32
      %dma_start3A_122 = tpu.memref_slice %arg10[%dma_start3A_120, %dma_start3A_121] : memref<10240x64xf32, #tpu.memory_space<vmem_shared>> -> memref<10240x64xf32, #tpu.memory_space<vmem_shared>>
      tpu.enqueue_indirect_dma source(%arg9 : memref<80x64xf32, #tpu.memory_space<vmem>>) target(%dma_start3A_122 : memref<10240x64xf32, #tpu.memory_space<vmem_shared>>) offsets(%dma_start3A_119 : memref<80xi32, #tpu.memory_space<vmem>>) semaphore(%arg14 : memref<!tpu.dma_semaphore, #tpu.memory_space<semaphore_mem>>) {add = true}
      %dma_wait3A_123 = tpu.memref_slice %arg7[%mul3A_97] : memref<20000xi32, #tpu.memory_space<vmem>> -> memref<80xi32, #tpu.memory_space<vmem>>
      %dma_wait3A_124 = arith.constant 0 : i32
      %dma_wait3A_125 = arith.constant 0 : i32
      %dma_wait3A_126 = tpu.memref_slice %arg10[%dma_wait3A_124, %dma_wait3A_125] : memref<10240x64xf32, #tpu.memory_space<vmem_shared>> -> memref<10240x64xf32, #tpu.memory_space<vmem_shared>>
      tpu.wait_indirect_dma semaphore(%arg13 : memref<!tpu.dma_semaphore, #tpu.memory_space<semaphore_mem>>) src(%arg8 : memref<80x64xf32, #tpu.memory_space<vmem>>) dst(%dma_wait3A_126 : memref<10240x64xf32, #tpu.memory_space<vmem_shared>>)
      %add3A_127 = arith.constant 160 : i32
      %add3A_128 = arith.addi %mul3A_97, %add3A_127 : i32
      %dma_start3A_129 = tpu.memref_slice %arg6[%add3A_128] : memref<20000xi32, #tpu.memory_space<vmem>> -> memref<80xi32, #tpu.memory_space<vmem>>
      %dma_start3A_130 = arith.constant 0 : i32
      %dma_start3A_131 = arith.constant 0 : i32
      %dma_start3A_132 = tpu.memref_slice %arg3[%arg0, %dma_start3A_130, %dma_start3A_131] : memref<2x10240x64xf32, #tpu.memory_space<hbm>> -> memref<1x10240x64xf32, #tpu.memory_space<hbm>>
      %dma_start3A_133 = tpu.memref_squeeze %dma_start3A_132 : memref<1x10240x64xf32, #tpu.memory_space<hbm>> -> memref<10240x64xf32, #tpu.memory_space<hbm>>
      %dma_start3A_134 = arith.constant 0 : i32
      %dma_start3A_135 = arith.constant 0 : i32
      %dma_start3A_136 = tpu.memref_slice %dma_start3A_133[%dma_start3A_134, %dma_start3A_135] : memref<10240x64xf32, #tpu.memory_space<hbm>> -> memref<10240x64xf32, #tpu.memory_space<hbm>>
      tpu.enqueue_indirect_dma source(%dma_start3A_136 : memref<10240x64xf32, #tpu.memory_space<hbm>>) target(%arg8 : memref<80x64xf32, #tpu.memory_space<vmem>>) offsets(%dma_start3A_129 : memref<80xi32, #tpu.memory_space<vmem>>) semaphore(%arg11 : memref<!tpu.dma_semaphore, #tpu.memory_space<semaphore_mem>>)
      %dma_wait3A_137 = tpu.memref_slice %arg7[%add3A_98] : memref<20000xi32, #tpu.memory_space<vmem>> -> memref<80xi32, #tpu.memory_space<vmem>>
      %dma_wait3A_138 = arith.constant 0 : i32
      %dma_wait3A_139 = arith.constant 0 : i32
      %dma_wait3A_140 = tpu.memref_slice %arg10[%dma_wait3A_138, %dma_wait3A_139] : memref<10240x64xf32, #tpu.memory_space<vmem_shared>> -> memref<10240x64xf32, #tpu.memory_space<vmem_shared>>
      tpu.wait_indirect_dma semaphore(%arg14 : memref<!tpu.dma_semaphore, #tpu.memory_space<semaphore_mem>>) src(%arg9 : memref<80x64xf32, #tpu.memory_space<vmem>>) dst(%dma_wait3A_140 : memref<10240x64xf32, #tpu.memory_space<vmem_shared>>)
      %add3A_141 = arith.constant 160 : i32
      %add3A_142 = arith.addi %add3A_98, %add3A_141 : i32
      %dma_start3A_143 = tpu.memref_slice %arg6[%add3A_142] : memref<20000xi32, #tpu.memory_space<vmem>> -> memref<80xi32, #tpu.memory_space<vmem>>
      %dma_start3A_144 = arith.constant 0 : i32
      %dma_start3A_145 = arith.constant 0 : i32
      %dma_start3A_146 = tpu.memref_slice %arg3[%arg0, %dma_start3A_144, %dma_start3A_145] : memref<2x10240x64xf32, #tpu.memory_space<hbm>> -> memref<1x10240x64xf32, #tpu.memory_space<hbm>>
      %dma_start3A_147 = tpu.memref_squeeze %dma_start3A_146 : memref<1x10240x64xf32, #tpu.memory_space<hbm>> -> memref<10240x64xf32, #tpu.memory_space<hbm>>
      %dma_start3A_148 = arith.constant 0 : i32
      %dma_start3A_149 = arith.constant 0 : i32
      %dma_start3A_150 = tpu.memref_slice %dma_start3A_147[%dma_start3A_148, %dma_start3A_149] : memref<10240x64xf32, #tpu.memory_space<hbm>> -> memref<10240x64xf32, #tpu.memory_space<hbm>>
      tpu.enqueue_indirect_dma source(%dma_start3A_150 : memref<10240x64xf32, #tpu.memory_space<hbm>>) target(%arg9 : memref<80x64xf32, #tpu.memory_space<vmem>>) offsets(%dma_start3A_143 : memref<80xi32, #tpu.memory_space<vmem>>) semaphore(%arg12 : memref<!tpu.dma_semaphore, #tpu.memory_space<semaphore_mem>>)
    }
    %scan3A_49 = arith.constant 124 : i32
    %dma_wait3A_50 = arith.constant 19840 : i32
    %dma_wait3A_51 = tpu.memref_slice %arg6[%dma_wait3A_50] : memref<20000xi32, #tpu.memory_space<vmem>> -> memref<80xi32, #tpu.memory_space<vmem>>
    %dma_wait3A_52 = arith.constant 0 : i32
    %dma_wait3A_53 = arith.constant 0 : i32
    %dma_wait3A_54 = tpu.memref_slice %arg3[%arg0, %dma_wait3A_52, %dma_wait3A_53] : memref<2x10240x64xf32, #tpu.memory_space<hbm>> -> memref<1x10240x64xf32, #tpu.memory_space<hbm>>
    %dma_wait3A_55 = tpu.memref_squeeze %dma_wait3A_54 : memref<1x10240x64xf32, #tpu.memory_space<hbm>> -> memref<10240x64xf32, #tpu.memory_space<hbm>>
    %dma_wait3A_56 = arith.constant 0 : i32
    %dma_wait3A_57 = arith.constant 0 : i32
    %dma_wait3A_58 = tpu.memref_slice %dma_wait3A_55[%dma_wait3A_56, %dma_wait3A_57] : memref<10240x64xf32, #tpu.memory_space<hbm>> -> memref<10240x64xf32, #tpu.memory_space<hbm>>
    tpu.wait_indirect_dma semaphore(%arg11 : memref<!tpu.dma_semaphore, #tpu.memory_space<semaphore_mem>>) src(%dma_wait3A_58 : memref<10240x64xf32, #tpu.memory_space<hbm>>) dst(%arg8 : memref<80x64xf32, #tpu.memory_space<vmem>>)
    %dma_start3A_59 = arith.constant 19840 : i32
    %dma_start3A_60 = tpu.memref_slice %arg7[%dma_start3A_59] : memref<20000xi32, #tpu.memory_space<vmem>> -> memref<80xi32, #tpu.memory_space<vmem>>
    %dma_start3A_61 = arith.constant 0 : i32
    %dma_start3A_62 = arith.constant 0 : i32
    %dma_start3A_63 = tpu.memref_slice %arg10[%dma_start3A_61, %dma_start3A_62] : memref<10240x64xf32, #tpu.memory_space<vmem_shared>> -> memref<10240x64xf32, #tpu.memory_space<vmem_shared>>
    tpu.enqueue_indirect_dma source(%arg8 : memref<80x64xf32, #tpu.memory_space<vmem>>) target(%dma_start3A_63 : memref<10240x64xf32, #tpu.memory_space<vmem_shared>>) offsets(%dma_start3A_60 : memref<80xi32, #tpu.memory_space<vmem>>) semaphore(%arg13 : memref<!tpu.dma_semaphore, #tpu.memory_space<semaphore_mem>>) {add = true}
    %dma_wait3A_64 = arith.constant 19920 : i32
    %dma_wait3A_65 = tpu.memref_slice %arg6[%dma_wait3A_64] : memref<20000xi32, #tpu.memory_space<vmem>> -> memref<80xi32, #tpu.memory_space<vmem>>
    %dma_wait3A_66 = arith.constant 0 : i32
    %dma_wait3A_67 = arith.constant 0 : i32
    %dma_wait3A_68 = tpu.memref_slice %arg3[%arg0, %dma_wait3A_66, %dma_wait3A_67] : memref<2x10240x64xf32, #tpu.memory_space<hbm>> -> memref<1x10240x64xf32, #tpu.memory_space<hbm>>
    %dma_wait3A_69 = tpu.memref_squeeze %dma_wait3A_68 : memref<1x10240x64xf32, #tpu.memory_space<hbm>> -> memref<10240x64xf32, #tpu.memory_space<hbm>>
    %dma_wait3A_70 = arith.constant 0 : i32
    %dma_wait3A_71 = arith.constant 0 : i32
    %dma_wait3A_72 = tpu.memref_slice %dma_wait3A_69[%dma_wait3A_70, %dma_wait3A_71] : memref<10240x64xf32, #tpu.memory_space<hbm>> -> memref<10240x64xf32, #tpu.memory_space<hbm>>
    tpu.wait_indirect_dma semaphore(%arg12 : memref<!tpu.dma_semaphore, #tpu.memory_space<semaphore_mem>>) src(%dma_wait3A_72 : memref<10240x64xf32, #tpu.memory_space<hbm>>) dst(%arg9 : memref<80x64xf32, #tpu.memory_space<vmem>>)
    %dma_start3A_73 = arith.constant 19920 : i32
    %dma_start3A_74 = tpu.memref_slice %arg7[%dma_start3A_73] : memref<20000xi32, #tpu.memory_space<vmem>> -> memref<80xi32, #tpu.memory_space<vmem>>
    %dma_start3A_75 = arith.constant 0 : i32
    %dma_start3A_76 = arith.constant 0 : i32
    %dma_start3A_77 = tpu.memref_slice %arg10[%dma_start3A_75, %dma_start3A_76] : memref<10240x64xf32, #tpu.memory_space<vmem_shared>> -> memref<10240x64xf32, #tpu.memory_space<vmem_shared>>
    tpu.enqueue_indirect_dma source(%arg9 : memref<80x64xf32, #tpu.memory_space<vmem>>) target(%dma_start3A_77 : memref<10240x64xf32, #tpu.memory_space<vmem_shared>>) offsets(%dma_start3A_74 : memref<80xi32, #tpu.memory_space<vmem>>) semaphore(%arg14 : memref<!tpu.dma_semaphore, #tpu.memory_space<semaphore_mem>>) {add = true}
    %dma_wait3A_78 = arith.constant 19840 : i32
    %dma_wait3A_79 = tpu.memref_slice %arg7[%dma_wait3A_78] : memref<20000xi32, #tpu.memory_space<vmem>> -> memref<80xi32, #tpu.memory_space<vmem>>
    %dma_wait3A_80 = arith.constant 0 : i32
    %dma_wait3A_81 = arith.constant 0 : i32
    %dma_wait3A_82 = tpu.memref_slice %arg10[%dma_wait3A_80, %dma_wait3A_81] : memref<10240x64xf32, #tpu.memory_space<vmem_shared>> -> memref<10240x64xf32, #tpu.memory_space<vmem_shared>>
    tpu.wait_indirect_dma semaphore(%arg13 : memref<!tpu.dma_semaphore, #tpu.memory_space<semaphore_mem>>) src(%arg8 : memref<80x64xf32, #tpu.memory_space<vmem>>) dst(%dma_wait3A_82 : memref<10240x64xf32, #tpu.memory_space<vmem_shared>>)
    %dma_wait3A_83 = arith.constant 19920 : i32
    %dma_wait3A_84 = tpu.memref_slice %arg7[%dma_wait3A_83] : memref<20000xi32, #tpu.memory_space<vmem>> -> memref<80xi32, #tpu.memory_space<vmem>>
    %dma_wait3A_85 = arith.constant 0 : i32
    %dma_wait3A_86 = arith.constant 0 : i32
    %dma_wait3A_87 = tpu.memref_slice %arg10[%dma_wait3A_85, %dma_wait3A_86] : memref<10240x64xf32, #tpu.memory_space<vmem_shared>> -> memref<10240x64xf32, #tpu.memory_space<vmem_shared>>
    tpu.wait_indirect_dma semaphore(%arg14 : memref<!tpu.dma_semaphore, #tpu.memory_space<semaphore_mem>>) src(%arg9 : memref<80x64xf32, #tpu.memory_space<vmem>>) dst(%dma_wait3A_87 : memref<10240x64xf32, #tpu.memory_space<vmem_shared>>)
    %barrier3A_88 = arith.constant 0 : index
    tpu.barrier barrier_id(%barrier3A_88)
    %mul3A_89 = arith.constant 640 : i32
    %mul3A_90 = arith.muli %arg1, %mul3A_89 : i32
    %mul3A_91 = arith.constant 640 : i32
    %mul3A_92 = arith.muli %arg1, %mul3A_91 : i32
    "tpu.region"() ({
      %run_scoped3A = tpu.sem_alloc : memref<!tpu.dma_semaphore, #tpu.memory_space<semaphore_mem>>
      %dma_start3A_93 = arith.constant 0 : i32
      %dma_start3A_94 = tpu.memref_slice %arg5[%arg0, %mul3A_92, %dma_start3A_93] : memref<2x10240x64xf32, #tpu.memory_space<hbm>> -> memref<1x640x64xf32, #tpu.memory_space<hbm>>
      %dma_start3A_95 = tpu.memref_squeeze %dma_start3A_94 : memref<1x640x64xf32, #tpu.memory_space<hbm>> -> memref<640x64xf32, #tpu.memory_space<hbm>>
      %dma_start3A_96 = arith.constant 0 : i32
      %dma_start3A_97 = tpu.memref_slice %arg10[%mul3A_90, %dma_start3A_96] : memref<10240x64xf32, #tpu.memory_space<vmem_shared>> -> memref<640x64xf32, #tpu.memory_space<vmem_shared>>
      tpu.enqueue_dma source(%dma_start3A_97 : memref<640x64xf32, #tpu.memory_space<vmem_shared>>) target(%dma_start3A_95 : memref<640x64xf32, #tpu.memory_space<hbm>>) target_semaphore(%run_scoped3A : memref<!tpu.dma_semaphore, #tpu.memory_space<semaphore_mem>>)
      %dma_wait3A_98 = arith.constant 0 : i32
      %dma_wait3A_99 = tpu.memref_slice %arg5[%arg0, %mul3A_92, %dma_wait3A_98] : memref<2x10240x64xf32, #tpu.memory_space<hbm>> -> memref<1x640x64xf32, #tpu.memory_space<hbm>>
      %dma_wait3A_100 = tpu.memref_squeeze %dma_wait3A_99 : memref<1x640x64xf32, #tpu.memory_space<hbm>> -> memref<640x64xf32, #tpu.memory_space<hbm>>
      %dma_wait3A_101 = arith.constant 0 : i32
      %dma_wait3A_102 = tpu.memref_slice %arg10[%mul3A_90, %dma_wait3A_101] : memref<10240x64xf32, #tpu.memory_space<vmem_shared>> -> memref<640x64xf32, #tpu.memory_space<vmem_shared>>
      tpu.wait_dma2 semaphore(%run_scoped3A : memref<!tpu.dma_semaphore, #tpu.memory_space<semaphore_mem>>) src(%dma_wait3A_102 : memref<640x64xf32, #tpu.memory_space<vmem_shared>>) dst(%dma_wait3A_100 : memref<640x64xf32, #tpu.memory_space<hbm>>)
      tpu.yield
    }) : () -> ()
    return
  }
}

module attributes {stable_mosaic.version = 14 : i64} {
  func.func @_tc1_body(%arg0: i32, %arg1: memref<5120x128xf32, #tpu.memory_space<vmem>>, %arg2: memref<128x128xf32, #tpu.memory_space<vmem>>, %arg3: memref<2x5120xf32, #tpu.memory_space<vmem>>, %arg4: memref<5120x128xf32, #tpu.memory_space<vmem>>, %arg5: memref<2x5120x64xf32, #tpu.memory_space<vmem>>, %arg6: memref<5120x1xf32, #tpu.memory_space<vmem>>) attributes {dimension_semantics = [#tpu.dimension_semantics<arbitrary>], iteration_bounds = array<i64: 2>, scalar_prefetch = 0 : i64, scratch_operands = 0 : i64, tpu.core_type = #tpu.core_type<tc>, window_params = [{transform_indices = @transform_0, window_bounds = array<i64: 5120, 128>}, {pipeline_mode = #tpu.pipeline_mode<synchronous>, transform_indices = @transform_1, window_bounds = array<i64: 128, 128>}, {transform_indices = @transform_2, window_bounds = array<i64: 2, 5120>}, {transform_indices = @transform_3, window_bounds = array<i64: 5120, 128>}, {transform_indices = @transform_4, window_bounds = array<i64: 2, 5120, 64>}, {transform_indices = @transform_5, window_bounds = array<i64: 5120, 1>}]} {
    %get3A = arith.constant 0 : index
    %get3A_0 = arith.constant 0 : index
    %get3A_1 = vector.load %arg3[%get3A, %get3A_0] : memref<2x5120xf32, #tpu.memory_space<vmem>>, vector<1x5120xf32>
    %get3A_2 = vector.shape_cast %get3A_1 : vector<1x5120xf32> to vector<5120xf32>
    %add3A = arith.constant 1.000000e+00 : f32
    %add3A_3 = vector.broadcast %add3A : f32 to vector<5120xf32>
    %add3A_4 = arith.addf %add3A_3, %get3A_2 : vector<5120xf32>
    %get3A_5 = arith.constant 1 : index
    %get3A_6 = arith.constant 0 : index
    %get3A_7 = vector.load %arg3[%get3A_5, %get3A_6] : memref<2x5120xf32, #tpu.memory_space<vmem>>, vector<1x5120xf32>
    %get3A_8 = vector.shape_cast %get3A_7 : vector<1x5120xf32> to vector<5120xf32>
    %add3A_9 = arith.addf %add3A_4, %get3A_8 : vector<5120xf32>
    %rsqrt3A = math.rsqrt %add3A_9 : vector<5120xf32>
    %get3A_10 = arith.constant 0 : index
    %get3A_11 = arith.constant 0 : index
    %get3A_12 = vector.load %arg1[%get3A_10, %get3A_11] : memref<5120x128xf32, #tpu.memory_space<vmem>>, vector<5120x128xf32>
    %get3A_13 = arith.constant 0 : index
    %get3A_14 = arith.constant 0 : index
    %get3A_15 = vector.load %arg2[%get3A_13, %get3A_14] : memref<128x128xf32, #tpu.memory_space<vmem>>, vector<128x128xf32>
    %dot_general3A = arith.constant dense<0.000000e+00> : vector<5120x128xf32>
    %dot_general3A_16 = tpu.matmul %get3A_12, %get3A_15, %dot_general3A {dimension_numbers = #tpu.dot_dimension_numbers<[1], [0], [0], [1], [0, 0, 1, 1], [], []>, transpose_lhs_hint = false} : vector<5120x128xf32>, vector<128x128xf32>, vector<5120x128xf32> -> vector<5120x128xf32>
    %broadcast_in_dim3A = vector.shape_cast %rsqrt3A : vector<5120xf32> to vector<5120x1xf32>
    %mul3A = vector.broadcast %broadcast_in_dim3A : vector<5120x1xf32> to vector<5120x128xf32>
    %mul3A_17 = arith.mulf %dot_general3A_16, %mul3A : vector<5120x128xf32>
    %swap3A = arith.constant 0 : index
    %swap3A_18 = arith.constant 0 : index
    %swap3A_19 = vector.load %arg4[%swap3A, %swap3A_18] : memref<5120x128xf32, #tpu.memory_space<vmem>>, vector<5120x128xf32>
    tpu.vector_store %arg4[%swap3A, %swap3A_18], %mul3A_17 {strides = array<i32>} : memref<5120x128xf32, #tpu.memory_space<vmem>>, vector<5120x128xf32>,
    %slice3A = vector.extract_strided_slice %mul3A_17 {offsets = [0, 0], sizes = [5120, 64], strides = [1, 1]} : vector<5120x128xf32> to vector<5120x64xf32>
    %swap3A_20 = arith.constant 0 : index
    %swap3A_21 = arith.constant 0 : index
    %swap3A_22 = arith.constant 0 : index
    %swap3A_23 = vector.load %arg5[%swap3A_20, %swap3A_21, %swap3A_22] : memref<2x5120x64xf32, #tpu.memory_space<vmem>>, vector<1x5120x64xf32>
    %swap3A_24 = vector.shape_cast %swap3A_23 : vector<1x5120x64xf32> to vector<5120x64xf32>
    %swap3A_25 = vector.shape_cast %slice3A : vector<5120x64xf32> to vector<1x5120x64xf32>
    tpu.vector_store %arg5[%swap3A_20, %swap3A_21, %swap3A_22], %swap3A_25 {strides = array<i32>} : memref<2x5120x64xf32, #tpu.memory_space<vmem>>, vector<1x5120x64xf32>,
    %slice3A_26 = vector.extract_strided_slice %mul3A_17 {offsets = [0, 64], sizes = [5120, 64], strides = [1, 1]} : vector<5120x128xf32> to vector<5120x64xf32>
    %swap3A_27 = arith.constant 1 : index
    %swap3A_28 = arith.constant 0 : index
    %swap3A_29 = arith.constant 0 : index
    %swap3A_30 = vector.load %arg5[%swap3A_27, %swap3A_28, %swap3A_29] : memref<2x5120x64xf32, #tpu.memory_space<vmem>>, vector<1x5120x64xf32>
    %swap3A_31 = vector.shape_cast %swap3A_30 : vector<1x5120x64xf32> to vector<5120x64xf32>
    %swap3A_32 = vector.shape_cast %slice3A_26 : vector<5120x64xf32> to vector<1x5120x64xf32>
    tpu.vector_store %arg5[%swap3A_27, %swap3A_28, %swap3A_29], %swap3A_32 {strides = array<i32>} : memref<2x5120x64xf32, #tpu.memory_space<vmem>>, vector<1x5120x64xf32>,
    %broadcast_in_dim3A_33 = vector.shape_cast %rsqrt3A : vector<5120xf32> to vector<5120x1xf32>
    %swap3A_34 = arith.constant 0 : index
    %swap3A_35 = arith.constant 0 : index
    %swap3A_36 = vector.load %arg6[%swap3A_34, %swap3A_35] : memref<5120x1xf32, #tpu.memory_space<vmem>>, vector<5120x1xf32>
    tpu.vector_store %arg6[%swap3A_34, %swap3A_35], %broadcast_in_dim3A_33 {strides = array<i32>} : memref<5120x1xf32, #tpu.memory_space<vmem>>, vector<5120x1xf32>,
    return
  }
  func.func @transform_0(%arg0: i32) -> (i32, i32) {
    %c0_i32 = arith.constant 0 : i32
    %c0_i32_0 = arith.constant 0 : i32
    return %arg0, %c0_i32 : i32, i32
  }
  func.func @transform_1(%arg0: i32) -> (i32, i32) {
    %c0_i32 = arith.constant 0 : i32
    %c0_i32_0 = arith.constant 0 : i32
    %c0_i32_1 = arith.constant 0 : i32
    return %c0_i32, %c0_i32_0 : i32, i32
  }
  func.func @transform_2(%arg0: i32) -> (i32, i32) {
    %c0_i32 = arith.constant 0 : i32
    %c0_i32_0 = arith.constant 0 : i32
    return %c0_i32, %arg0 : i32, i32
  }
  func.func @transform_3(%arg0: i32) -> (i32, i32) {
    %c0_i32 = arith.constant 0 : i32
    %c0_i32_0 = arith.constant 0 : i32
    return %arg0, %c0_i32 : i32, i32
  }
  func.func @transform_4(%arg0: i32) -> (i32, i32, i32) {
    %c0_i32 = arith.constant 0 : i32
    %c0_i32_0 = arith.constant 0 : i32
    %c0_i32_1 = arith.constant 0 : i32
    return %c0_i32, %arg0, %c0_i32_0 : i32, i32, i32
  }
  func.func @transform_5(%arg0: i32) -> (i32, i32) {
    %c0_i32 = arith.constant 0 : i32
    %c0_i32_0 = arith.constant 0 : i32
    return %arg0, %c0_i32 : i32, i32
  }
}

module attributes {stable_mosaic.version = 14 : i64} {
  func.func @_tc2_body(%arg0: i32, %arg1: memref<2x5120x64xf32, #tpu.memory_space<vmem>>, %arg2: memref<5120x128xf32, #tpu.memory_space<vmem>>, %arg3: memref<5120x1xf32, #tpu.memory_space<vmem>>, %arg4: memref<1x128xf32, #tpu.memory_space<vmem>>, %arg5: memref<256x2xf32, #tpu.memory_space<vmem>>, %arg6: memref<1x2xf32, #tpu.memory_space<vmem>>, %arg7: memref<2x5120xf32, #tpu.memory_space<vmem>>) attributes {dimension_semantics = [#tpu.dimension_semantics<arbitrary>], iteration_bounds = array<i64: 2>, scalar_prefetch = 0 : i64, scratch_operands = 0 : i64, tpu.core_type = #tpu.core_type<tc>, window_params = [{transform_indices = @transform_0, window_bounds = array<i64: 2, 5120, 64>}, {transform_indices = @transform_1, window_bounds = array<i64: 5120, 128>}, {transform_indices = @transform_2, window_bounds = array<i64: 5120, 1>}, {pipeline_mode = #tpu.pipeline_mode<synchronous>, transform_indices = @transform_3, window_bounds = array<i64: 1, 128>}, {pipeline_mode = #tpu.pipeline_mode<synchronous>, transform_indices = @transform_4, window_bounds = array<i64: 256, 2>}, {pipeline_mode = #tpu.pipeline_mode<synchronous>, transform_indices = @transform_5, window_bounds = array<i64: 1, 2>}, {transform_indices = @transform_6, window_bounds = array<i64: 2, 5120>}]} {
    %get3A = arith.constant 0 : index
    %get3A_0 = arith.constant 0 : index
    %get3A_1 = arith.constant 0 : index
    %get3A_2 = vector.load %arg1[%get3A, %get3A_0, %get3A_1] : memref<2x5120x64xf32, #tpu.memory_space<vmem>>, vector<1x5120x64xf32>
    %get3A_3 = vector.shape_cast %get3A_2 : vector<1x5120x64xf32> to vector<5120x64xf32>
    %get3A_4 = arith.constant 1 : index
    %get3A_5 = arith.constant 0 : index
    %get3A_6 = arith.constant 0 : index
    %get3A_7 = vector.load %arg1[%get3A_4, %get3A_5, %get3A_6] : memref<2x5120x64xf32, #tpu.memory_space<vmem>>, vector<1x5120x64xf32>
    %get3A_8 = vector.shape_cast %get3A_7 : vector<1x5120x64xf32> to vector<5120x64xf32>
    %concatenate3A = tpu.concatenate %get3A_3, %get3A_8 in 1 : vector<5120x64xf32>, vector<5120x64xf32> -> vector<5120x128xf32>
    %get3A_9 = arith.constant 0 : index
    %get3A_10 = arith.constant 0 : index
    %get3A_11 = vector.load %arg3[%get3A_9, %get3A_10] : memref<5120x1xf32, #tpu.memory_space<vmem>>, vector<5120x1xf32>
    %get3A_12 = arith.constant 0 : index
    %get3A_13 = arith.constant 0 : index
    %get3A_14 = vector.load %arg2[%get3A_12, %get3A_13] : memref<5120x128xf32, #tpu.memory_space<vmem>>, vector<5120x128xf32>
    %add3A = arith.addf %concatenate3A, %get3A_14 : vector<5120x128xf32>
    %mul3A = vector.broadcast %get3A_11 : vector<5120x1xf32> to vector<5120x128xf32>
    %mul3A_15 = arith.mulf %mul3A, %add3A : vector<5120x128xf32>
    %get3A_16 = arith.constant 0 : index
    %get3A_17 = arith.constant 0 : index
    %get3A_18 = vector.load %arg4[%get3A_16, %get3A_17] : memref<1x128xf32, #tpu.memory_space<vmem>>, vector<1x128xf32>
    %add3A_19 = vector.broadcast %get3A_18 : vector<1x128xf32> to vector<5120x128xf32>
    %add3A_20 = arith.addf %mul3A_15, %add3A_19 : vector<5120x128xf32>
    %get3A_21 = arith.constant 0 : index
    %get3A_22 = arith.constant 0 : index
    %get3A_23 = vector.load %arg5[%get3A_21, %get3A_22] : memref<256x2xf32, #tpu.memory_space<vmem>>, vector<256x1xf32>
    %get3A_24 = vector.shape_cast %get3A_23 : vector<256x1xf32> to vector<256xf32>
    %get3A_25 = arith.constant 0 : index
    %get3A_26 = arith.constant 1 : index
    %get3A_27 = vector.load %arg5[%get3A_25, %get3A_26] : memref<256x2xf32, #tpu.memory_space<vmem>>, vector<256x1xf32>
    %get3A_28 = vector.shape_cast %get3A_27 : vector<256x1xf32> to vector<256xf32>
    %sub3A = arith.subf %get3A_24, %get3A_28 : vector<256xf32>
    %slice3A = vector.extract_strided_slice %sub3A {offsets = [0], sizes = [128], strides = [1]} : vector<256xf32> to vector<128xf32>
    %broadcast_in_dim3A = vector.shape_cast %slice3A : vector<128xf32> to vector<128x1xf32>
    %slice3A_29 = vector.extract_strided_slice %sub3A {offsets = [128], sizes = [128], strides = [1]} : vector<256xf32> to vector<128xf32>
    %broadcast_in_dim3A_30 = vector.shape_cast %slice3A_29 : vector<128xf32> to vector<128x1xf32>
    %concatenate3A_31 = tpu.concatenate %broadcast_in_dim3A, %broadcast_in_dim3A_30 in 1 : vector<128x1xf32>, vector<128x1xf32> -> vector<128x2xf32>
    %dot_general3A = arith.constant dense<0.000000e+00> : vector<5120x2xf32>
    %dot_general3A_32 = tpu.matmul %add3A_20, %concatenate3A_31, %dot_general3A {dimension_numbers = #tpu.dot_dimension_numbers<[1], [0], [0], [1], [0, 0, 1, 1], [], []>, transpose_lhs_hint = false} : vector<5120x128xf32>, vector<128x2xf32>, vector<5120x2xf32> -> vector<5120x2xf32>
    %get3A_33 = arith.constant 0 : index
    %get3A_34 = arith.constant 0 : index
    %get3A_35 = vector.load %arg6[%get3A_33, %get3A_34] : memref<1x2xf32, #tpu.memory_space<vmem>>, vector<1x1xf32>
    %get3A_36 = vector.extract %get3A_35[0, 0] : f32 from vector<1x1xf32>
    %get3A_37 = arith.constant 0 : index
    %get3A_38 = arith.constant 1 : index
    %get3A_39 = vector.load %arg6[%get3A_37, %get3A_38] : memref<1x2xf32, #tpu.memory_space<vmem>>, vector<1x1xf32>
    %get3A_40 = vector.extract %get3A_39[0, 0] : f32 from vector<1x1xf32>
    %sub3A_41 = arith.subf %get3A_36, %get3A_40 : f32
    %slice3A_42 = vector.extract_strided_slice %dot_general3A_32 {offsets = [0, 0], sizes = [5120, 1], strides = [1, 1]} : vector<5120x2xf32> to vector<5120x1xf32>
    %add3A_43 = vector.broadcast %sub3A_41 : f32 to vector<5120x1xf32>
    %add3A_44 = arith.addf %slice3A_42, %add3A_43 : vector<5120x1xf32>
    %slice3A_45 = vector.extract_strided_slice %dot_general3A_32 {offsets = [0, 1], sizes = [5120, 1], strides = [1, 1]} : vector<5120x2xf32> to vector<5120x1xf32>
    %concatenate3A_46 = tpu.concatenate %add3A_44, %slice3A_45 in 1 : vector<5120x1xf32>, vector<5120x1xf32> -> vector<5120x2xf32>
    %transpose3A = tpu.transpose %concatenate3A_46, [1, 0] : vector<5120x2xf32> -> vector<2x5120xf32>
    %swap3A = arith.constant 0 : index
    %swap3A_47 = arith.constant 0 : index
    %swap3A_48 = vector.load %arg7[%swap3A, %swap3A_47] : memref<2x5120xf32, #tpu.memory_space<vmem>>, vector<2x5120xf32>
    tpu.vector_store %arg7[%swap3A, %swap3A_47], %transpose3A {strides = array<i32>} : memref<2x5120xf32, #tpu.memory_space<vmem>>, vector<2x5120xf32>,
    return
  }
  func.func @transform_0(%arg0: i32) -> (i32, i32, i32) {
    %c0_i32 = arith.constant 0 : i32
    %c0_i32_0 = arith.constant 0 : i32
    %c0_i32_1 = arith.constant 0 : i32
    return %c0_i32, %arg0, %c0_i32_0 : i32, i32, i32
  }
  func.func @transform_1(%arg0: i32) -> (i32, i32) {
    %c0_i32 = arith.constant 0 : i32
    %c0_i32_0 = arith.constant 0 : i32
    return %arg0, %c0_i32 : i32, i32
  }
  func.func @transform_2(%arg0: i32) -> (i32, i32) {
    %c0_i32 = arith.constant 0 : i32
    %c0_i32_0 = arith.constant 0 : i32
    return %arg0, %c0_i32 : i32, i32
  }
  func.func @transform_3(%arg0: i32) -> (i32, i32) {
    %c0_i32 = arith.constant 0 : i32
    %c0_i32_0 = arith.constant 0 : i32
    %c0_i32_1 = arith.constant 0 : i32
    return %c0_i32, %c0_i32_0 : i32, i32
  }
  func.func @transform_4(%arg0: i32) -> (i32, i32) {
    %c0_i32 = arith.constant 0 : i32
    %c0_i32_0 = arith.constant 0 : i32
    %c0_i32_1 = arith.constant 0 : i32
    return %c0_i32, %c0_i32_0 : i32, i32
  }
  func.func @transform_5(%arg0: i32) -> (i32, i32) {
    %c0_i32 = arith.constant 0 : i32
    %c0_i32_0 = arith.constant 0 : i32
    %c0_i32_1 = arith.constant 0 : i32
    return %c0_i32, %c0_i32_0 : i32, i32
  }
  func.func @transform_6(%arg0: i32) -> (i32, i32) {
    %c0_i32 = arith.constant 0 : i32
    %c0_i32_0 = arith.constant 0 : i32
    return %c0_i32, %arg0 : i32, i32
  }
}

</mosaic_0001>

<sc_bundles>
// kernel: kernel.10.cloned.1.call-start
scs
__scs_entry_jumppad:
0x0: {  	(pc) =	sbr.rel $0x88, $3  }
0x1: {  	(tag) =	ssettag $0x0;
	lr =	simm.s32 $0x1  }
0x2: {  	[smem:$0x3F9B] =	sst lr;
	_ =	strace $0xD0000000  }
0x3: {  	_ = 	snop  }
0x4: {  	_ = 	snop  }
0x5: {  	_ = 	snop  }
0x6: {  	_ = 	snop  }
0x7: {  	_ = 	snop  }
__scs_overlays_trampoline_lowered:
0x8: {  	[smem:$0x3FAA] =	sst s0  }
0x9: {  	[smem:$0x3FAB] =	sst s1  }
0xa: {  	[smem:$0x3FAC] =	sst s2  }
0xb: {  	[smem:$0x3FAD] =	sst s3  }
0xc: {  	[smem:$0x3FAE] =	sst s4  }
0xd: {  	[smem:$0x3FAF] =	sst s5  }
0xe: {  	[smem:$0x3FB0] =	sst s6  }
0xf: {  	[smem:$0x3FB1] =	sst s7  }
0x10: {  	[smem:$0x3FB2] =	sst s8  }
0x11: {  	[smem:$0x3FB3] =	sst s9;
	s0 =	simm.s32 @!p0 $0x0  }
0x12: {  	s1 =	sld [smem:$0x3F99];
	s0 =	simm.s32 @p0 $0x1  }
0x13: {  	[smem:$0x3FB4] =	sst s0;
	s0 =	simm.s32 @!p1 $0x0  }
0x14: {  	s2 =	sld [smem:$0x3F98];
	s0 =	simm.s32 @p1 $0x1  }
0x15: {  	[smem:$0x3FB5] =	sst s0;
	s0 =	simm.s32 @!p2 $0x0  }
0x16: {  	s3 =	sld [smem:$0x3FDB];
	s0 =	simm.s32 @p2 $0x1  }
0x17: {  	s4 =	simm.s32 $0x1BF5;
	[smem:$0x3FB7] =	sst s0  }
0x18: {  	s0 =	sld [smem:$0x3F9A];
	_ =	swait.ge [sflag:s4], $0x0  }
0x19: {  	s7 =	sld [smem:$0x3F9B]  }
0x1a: {  	s8 =	sadd.s32 $0xFFFFE003, lr  }
0x1b: {  	s9 =	sadd.s32 $0xFFFFFEF7, lr;
	s5 =	simm.s32 $0xFFFFFFFF;
	p2 =	slt.u32 s8, $0xFFFFF086  }
0x1c: {  	p1 =	slt.u32 s9, $0xF7A;
	s5 =	simm.s32 @!p2 $0x0  }
0x1d: {  	s5 =	simm.s32 @p1 $0x1;
	p0 =	seq.s32 s7, s2  }
0x1e: {  	s7 =	smul.u32 @!p0 $0xF7A, s2;
	p2 =	seq.s32 @!p0 s5, $0x0  }
0x1f: {  	s9 =	smul.u32 $0xF7A, s1;
	s8 =	simm.s32 @!p0 $0x1BF5;
	p2 =	por !p2, p0  }
0x20: {  	[sflag:s8] =	ssyncset.s32 @!p0 $0xFFFFF086;
	s6 =	sadd.s32 @!p0 s3, s7;
	s7 =	simm.s32 @!p0 $0x108  }
0x21: {  	s3 =	sadd.s32 s3, s9;
	s6 =	sadd.s32 @!p0 $0x88, s6;
	s7 =	simm.s32 @p2 $0x1082  }
0x22: {  	[simem:s7], [sflag:s8] =	dma.local @!p0 [hbm:s6], $0xF7A  }
0x23: {  	s9 =	sor.u32 $0xD0000000, s2;
	s6 =	simm.s32 $0x108;
	_ =	swait.ge @!p0 [sflag:s8], $0x0  }
0x24: {  	s3 =	sadd.s32 $0x88, s3;
	s6 =	simm.s32 @!p1 $0x1082;
	[sflag:s4] =	ssyncset.s32 $0xFFFFF086  }
0x25: {  	[simem:s6], [sflag:s4] =	dma.local [hbm:s3], $0xF7A  }
0x26: {  	[smem:$0x3F9B] =	sst s1;
	(tag) =	ssettag s2;
	_ =	strace s9  }
0x27: {  	s1 =	sld [smem:$0x3FAB]  }
0x28: {  	s2 =	sld [smem:$0x3FAC]  }
0x29: {  	s4 =	sld [smem:$0x3FAE]  }
0x2a: {  	p0 =	seq.s32 s5, $0x0;
	s5 =	sld [smem:$0x3FAF]  }
0x2b: {  	s6 =	sld [smem:$0x3FB0]  }
0x2c: {  	s7 =	sld [smem:$0x3FB1]  }
0x2d: {  	s3 =	simm.s32 $0x108;
	s8 =	sld [smem:$0x3FB2]  }
0x2e: {  	s3 =	simm.s32 @!p0 $0x1082;
	s9 =	sld [smem:$0x3FB3]  }
0x2f: {  	lr =	sadd.s32 s0, s3;
	s0 =	sld [smem:$0x3FAA]  }
0x30: {  	s3 =	sld [smem:$0x3FAD]  }
0x31: {  	[smem:$0x3FB6] =	sst s10  }
0x32: {  	s10 =	sld [smem:$0x3FB4];
	_ =	sdelay $0x3  }
0x33: {  	p0 =	seq.s32 s10, $0x1;
	s10 =	sld [smem:$0x3FB6];
	_ =	sdelay $0x3  }
0x34: {  	[smem:$0x3FB6] =	sst s10  }
0x35: {  	s10 =	sld [smem:$0x3FB5];
	_ =	sdelay $0x3  }
0x36: {  	p1 =	seq.s32 s10, $0x1;
	s10 =	sld [smem:$0x3FB6];
	_ =	sdelay $0x3  }
0x37: {  	[smem:$0x3FB6] =	sst s10  }
0x38: {  	s10 =	sld [smem:$0x3FB7]  }
0x39: {  	_ = 	snop;
	(pc) =	sbr.ind lr, $3  }
0x3a: {  	_ = 	snop  }
0x3b: {  	_ = 	snop  }
0x3c: {  	p2 =	seq.s32 s10, $0x1;
	s10 =	sld [smem:$0x3FB6]  }
0x3d: {  	_ =	shalt  }
0x3e: {  	_ =	shalt  }
0x3f: {  	_ =	shalt  }
0x40: {  	_ =	shalt  }
0x41: {  	_ =	shalt  }
0x42: {  	_ =	shalt  }
0x43: {  	_ =	shalt  }
0x44: {  	_ =	shalt  }
0x45: {  	_ =	shalt  }
0x46: {  	_ =	shalt  }
0x47: {  	_ =	shalt  }
0x48: {  	_ =	shalt  }
0x49: {  	_ =	shalt  }
0x4a: {  	_ =	shalt  }
0x4b: {  	_ =	shalt  }
0x4c: {  	_ =	shalt  }
0x4d: {  	_ =	shalt  }
0x4e: {  	_ =	shalt  }
0x4f: {  	_ =	shalt  }
0x50: {  	_ =	shalt  }
0x51: {  	_ =	shalt  }
0x52: {  	_ =	shalt  }
0x53: {  	_ =	shalt  }
0x54: {  	_ =	shalt  }
0x55: {  	_ =	shalt  }
0x56: {  	_ =	shalt  }
0x57: {  	_ =	shalt  }
0x58: {  	_ =	shalt  }
0x59: {  	_ =	shalt  }
0x5a: {  	_ =	shalt  }
0x5b: {  	_ =	shalt  }
0x5c: {  	_ =	shalt  }
0x5d: {  	_ =	shalt  }
0x5e: {  	_ =	shalt  }
0x5f: {  	_ =	shalt  }
0x60: {  	_ =	shalt  }
0x61: {  	_ =	shalt  }
0x62: {  	_ =	shalt  }
0x63: {  	_ =	shalt  }
0x64: {  	_ =	shalt  }
0x65: {  	_ =	shalt  }
0x66: {  	_ =	shalt  }
0x67: {  	_ =	shalt  }
0x68: {  	_ =	shalt  }
0x69: {  	_ =	shalt  }
0x6a: {  	_ =	shalt  }
0x6b: {  	_ =	shalt  }
0x6c: {  	_ =	shalt  }
0x6d: {  	_ =	shalt  }
0x6e: {  	_ =	shalt  }
0x6f: {  	_ =	shalt  }
0x70: {  	_ =	shalt  }
0x71: {  	_ =	shalt  }
0x72: {  	_ =	shalt  }
0x73: {  	_ =	shalt  }
0x74: {  	_ =	shalt  }
0x75: {  	_ =	shalt  }
0x76: {  	_ =	shalt  }
0x77: {  	_ =	shalt  }
0x78: {  	_ =	shalt  }
0x79: {  	_ =	shalt  }
0x7a: {  	_ =	shalt  }
0x7b: {  	_ =	shalt  }
0x7c: {  	_ =	shalt  }
0x7d: {  	_ =	shalt  }
0x7e: {  	_ =	shalt  }
0x7f: {  	_ =	shalt  }
0x80: {  	_ =	shalt  }
0x81: {  	_ =	shalt  }
0x82: {  	_ =	shalt  }
0x83: {  	_ =	shalt  }
0x84: {  	_ =	shalt  }
0x85: {  	_ =	shalt  }
0x86: {  	_ =	shalt  }
0x87: {  	_ =	shalt  }
.Lfunc_end0:
.L_simem_size_0:
called_computation.1_lowered:
.L_overlay_start_0:
0x88: {  	s2 =	sld [smem:$0x3FD9]  }
0x89: {  	s3 =	sld [smem:$0x3FFE];
	_ =	sdelay $0x1  }
0x8a: {  	s1 =	srdreg.scid  }
0x8b: {  	s0 =	sand.u32 $0x1, s1  }
0x8c: {  	s17 =	sshll.u32 s0, $0xA;
	s2 =	sadd.s32 s3, s2  }
0x8d: {  	s2 =	sadd.s32 s2, s17  }
0x8e: {  	[smem:$0x3FC2] =	sst s2  }
0x8f: {  	_ = 	snop  }
0x90: {  	s2 =	sld [smem:$0x3FD0];
	(tm) =	ssettm $0x1  }
0x91: {  	s18 =	sld [smem:$0x3FFB];
	_ =	sdelay $0x3  }
0x92: {  	_ =	strace s18  }
0x93: {  	s3 =	sld [smem:$0x3FFC];
	_ =	sdelay $0x3  }
0x94: {  	_ =	strace s3  }
0x95: {  	s3 =	sld [smem:$0x3FFD];
	_ =	sdelay $0x3  }
0x96: {  	_ =	strace s3  }
0x97: {  	_ =	strace $0x8FFFFFFF  }
0x98: {  	s19 =	sld [smem:$0x3FDB];
	_ =	sdelay $0x1  }
0x99: {  	s4 =	simm.s32 $_scs_section_size  }
0x9a: {  	s5 =	simm.s32 $_size__tile_overlayer_lowered;
	s6 =	simm.s32 $_tile_overlayer_lowered  }
0x9b: {  	s22 =	simm.s32 $0x1BFF;
	s21 =	sshll.u32 s6, $0x1;
	s3 =	sadd.s32 s4, s19  }
0x9c: {  	s7 =	simm.s32 $0x0;
	s20 =	sshll.u32 s5, $0x1;
	s5 =	sadd.s32 s21, s3  }
0x9d: {  	[timem:s7], [sflag:s22] =	dma.local [hbm:s5], s20  }
0x9e: {  	_ =	swait.ge [sflag:s22], s20  }
0x9f: {  	s4 =	ssub.s32 $0x0, s20;
	[sflag:s22] =	ssyncset.done $0x0  }
0xa0: {  	[sflag:s22] =	ssyncadd.s32 s4;
	_ =	sdelay $0x1  }
0xa1: {  	s23 =	simm.s32 $0x1B8B  }
0xa2: {  	_ =	swait.ge [sflag:s23], $0x1  }
0xa3: {  	[sflag:s23] =	ssyncset.done $0x0  }
0xa4: {  	s25 =	simm.s32 $0x1B8E;
	s24 =	sld [smem:$0x3FFE];
	[sflag:s23] =	ssyncadd.s32 $0xFFFFFFFF  }
0xa5: {  	s26 =	simm.s32 $execute0_lowered;
	[smem:$0x3FD2] =	sst s25  }
0xa6: {  	s5 =	sshll.u32 s26, $0x1;
	_ =	strace $0x80000049;
	[dreg:$0x1] =	wrdreg $0xFFFFFFFF  }
0xa7: {  	s28 =	simm.s32 $_size_execute0_lowered;
	s3 =	sadd.s32 s3, s5;
	[dreg:$0x0] =	wrdreg $0x0  }
0xa8: {  	s5 =	sshll.u32 s28, $0x1;
	[dreg:$0x2] =	wrdreg s3  }
0xa9: {  	[dreg:$0x3] =	wrdreg s5  }
0xaa: {  	[dreg:$0x4] =	wrdreg $0xC0  }
0xab: {  	_ =	task [dreg:s7], $0x5FFFF  }
0xac: {  	[dreg:$0x1] =	wrdreg $0xFFFFFFFF  }
0xad: {  	[dreg:$0x0] =	wrdreg $0x60  }
0xae: {  	[dreg:$0x2] =	wrdreg s2  }
0xaf: {  	[dreg:$0x3] =	wrdreg s24  }
0xb0: {  	[dreg:$0x4] =	wrdreg $0xC4400  }
0xb1: {  	[dreg:$0x5] =	wrdreg $0x9  }
0xb2: {  	_ =	task.clear_ibuf [dreg:s7], $0x6FFFF;
	_ =	strace $0x90000049  }
0xb3: {  	s29 =	simm.s32 $0x9;
	_ =	strace $0x8000004B  }
0xb4: {  	_ =	swait.ge [sflag:s29], $0x1  }
0xb5: {  	[sflag:s29] =	ssyncadd.s32 $0xFFFFFFFF  }
0xb6: {  	_ =	strace $0x9000004B  }
0xb7: {  	_ =	sfence  }
0xb8: {  	s30 =	sld [smem:$0x0];
	_ =	sdelay $0x2  }
0xb9: {  	s31 =	sshll.u32 s1, $0xD;
	s1 =	sshrl.u32 s1, $0x2  }
0xba: {  	s3 =	sand.u32 $0x4000, s31;
	s1 =	sadd.s32 s1, s30  }
0xbb: {  	s0 =	sor.u32 s3, s0;
	s1 =	sshll.u32 s1, $0x11  }
0xbc: {  	s0 =	sor.u32 s1, s0  }
0xbd: {  	s0 =	sadd.s32 $0x8F2B, s0  }
0xbe: {  	[sflag:s0] =	ssyncadd.remote.s32 $0x1  }
0xbf: {  	_ =	sfence.sel $0xFFFF  }
0xc0: {  	[dreg:$0x0] =	wrdreg $0xFFFFFFFF;
	(pc) =	sbr.abs _section_cstart, $3  }
0xc1: {  	[dreg:$0x1] =	wrdreg $0xFFFFFFFF  }
0xc2: {  	_ =	task.clear_ibuf [dreg:s7], $0x2FFFF;
	_ =	strace $0x9FFFFFFF  }
0xc3: {  	(tm) =	ssettm $0x7FFFFFFF  }
tec
execute0_lowered:
.L_overlay_start_1:
0x0: {  	(tag) =	ssettag $0x1  }
0x1: {  	s6 =	rddreg [dreg:$0x0]  }
0x2: {  	s5 =	rddreg [dreg:$0x1];
	s0 =	srdreg.scid  }
0x3: {  	s2 =	rddreg [dreg:$0x2];
	s1 =	stileid.u32;
	s3 =	simm.s32 $0x0  }
0x4: {  	s13 =	simm.s32 $0x3;
	s14 =	simm.s32 $0x1;
	s15 =	simm.s32 $0x2  }
0x5: {  	s16 =	simm.s32 $0x50;
	s17 =	simm.s32 $0x9C40;
	s18 =	simm.s32 $0xB040  }
0x6: {  	s19 =	simm.s32 $0x4;
	s20 =	simm.s32 $0x9BA0;
	s21 =	simm.s32 $0x9BF0  }
0x7: {  	s23 =	simm.s32 $0x5;
	s24 =	simm.s32 $0x0;
	s8 =	smul.u32 $0xA000, s1  }
0x8: {  	s4 =	sand.u32 $0x1, s0;
	s0 =	rddreg [dreg:$0x3];
	s11 =	smul.u32 $0x4E20, s1  }
0x9: {  	[smem:$0x7FF] =	sst s3;
	s22 =	sshll.u32 s1, $0x6;
	s7 =	smul.u32 $0xA0000, s4  }
0xa: {  	_ =	strace $0x8000004A;
	s10 =	ssub.s32 $0x2, s4;
	s4 =	sadd.s32 $0x1E00, s5  }
0xb: {  	s29 =	sshrl.u32 s10, $0x1;
	s30 =	sshrl.u32 s11, $0x3;
	s31 =	sadd.s32 s8, s2  }
0xc: {  	s9 =	sshrl.u32 s7, $0x3;
	s7 =	sadd.s32 s8, s7;
	s10 =	ssub.s32 s10, s29  }
0xd: {  	s6 =	sadd.s32 s6, s30;
	s11 =	sshrl.u32 s31, $0x3;
	s7 =	sshrl.u32 s7, $0x3  }
0xe: {  	s9 =	sadd.s32 s9, s5;
	s10 =	smax.u32 s10, $0x1;
	s12 =	sadd.s32 s7, s5  }
0xf: {  	s5 =	sor.u32 $0x1C03, s22;
	s7 =	sadd.s32 $0x9C40, s6;
	s8 =	sadd.s32 $0x51E00, s9  }
0x10: {  	s22 =	sor.u32 $0x1C05, s22;
	s9 =	sadd.s32 $0x3200, s12;
	s12 =	simm.s32 $0x4E20  }
.LBB2_1:
0x11: {  	[spmem:s11], [sflag:s5] =	dma.local [hbm:s4], $0x1400  }
0x12: {  	[tilespmem:s3], [sflag:$0x1] =	stream.linear.gather [hbm4b:s6+s3], $0x4E20, $0x38;
	[tilespmem:$0x16440] =	vst v63  }
0x13: {  	_ = 	snop  }
0x14: {  	[tilespmem:s12], [sflag:$0x2] =	stream.linear.gather [hbm4b:s7+s3], $0x4E20, $0x38;
	[tilespmem:$0x16440] =	vst v63  }
0x15: {  	_ =	swait.ge [sflag:s13], $0x1400  }
0x16: {  	[sflag:s13] =	ssyncset.done $0x0  }
0x17: {  	[sflag:s13] =	ssyncadd.s32 $0xFFFFEC00  }
0x18: {  	_ =	swait.ge [sflag:s14], $0x4E20  }
0x19: {  	[sflag:s14] =	ssyncset.done $0x0  }
0x1a: {  	[sflag:s14] =	ssyncadd.s32 $0xFFFFB1E0  }
0x1b: {  	_ =	swait.ge [sflag:s15], $0x4E20  }
0x1c: {  	[sflag:s15] =	ssyncset.done $0x0  }
0x1d: {  	[sflag:s15] =	ssyncadd.s32 $0xFFFFB1E0  }
0x1e: {  	[bflag:$0x0] =	sbarrier.arrive $0xFFFF  }
0x1f: {  	[tilespmem:s17], [sflag:$0x1] =	stream.indirect.gather [hbm4b:s8+s16], $0x40, s3, s16, $0xb8;
	[tilespmem:$0x16440] =	vst v63  }
0x20: {  	_ = 	snop  }
0x21: {  	[tilespmem:s18], [sflag:$0x2] =	stream.indirect.gather [hbm4b:s8+s16], $0x40, s16, s16, $0xb8;
	[tilespmem:$0x16440] =	vst v63  }
0x22: {  	_ =	swait.ge [sflag:s14], $0x1400  }
0x23: {  	[sflag:s14] =	ssyncset.done $0x0  }
0x24: {  	s25 =	simm.s32 $0x4E20;
	[sflag:s14] =	ssyncadd.s32 $0xFFFFEC00  }
0x25: {  	[spmem:s2] =	stream.indirect.scatter.add.f32 [tilespmem:s17], [sflag:$0x3], $0x40, s25, s16, $0xb8;
	[tilespmem:$0x16440] =	vst v63  }
0x26: {  	_ =	swait.ge [sflag:s15], $0x1400  }
0x27: {  	[sflag:s15] =	ssyncset.done $0x0  }
0x28: {  	s30 =	simm.s32 $0x4E70;
	[sflag:s15] =	ssyncadd.s32 $0xFFFFEC00  }
0x29: {  	[spmem:s2] =	stream.indirect.scatter.add.f32 [tilespmem:s18], [sflag:$0x4], $0x40, s30, s16, $0xb8;
	[tilespmem:$0x16440] =	vst v63  }
0x2a: {  	_ =	swait.ge [sflag:s13], $0x1400  }
0x2b: {  	[sflag:s13] =	ssyncset.done $0x0  }
0x2c: {  	s31 =	simm.s32 $0xA0;
	[sflag:s13] =	ssyncadd.s32 $0xFFFFEC00  }
0x2d: {  	[tilespmem:s17], [sflag:$0x1] =	stream.indirect.gather [hbm4b:s8+s16], $0x40, s31, s16, $0xb8;
	[tilespmem:$0x16440] =	vst v63  }
0x2e: {  	_ =	swait.ge [sflag:s19], $0x1400  }
0x2f: {  	[sflag:s19] =	ssyncset.done $0x0  }
0x30: {  	s26 =	simm.s32 $0xF0;
	s25 =	simm.s32 $0x280;
	[sflag:s19] =	ssyncadd.s32 $0xFFFFEC00  }
.LBB2_2:
0x31: {  	[tilespmem:s18], [sflag:$0x2] =	stream.indirect.gather [hbm4b:s8+s16], $0x40, s26, s16, $0xb8;
	[tilespmem:$0x16440] =	vst v63  }
0x32: {  	s26 =	smov.u32 s25  }
0x33: {  	p0 =	sne.s32 s25, $0x13380;
	s25 =	sadd.s32 $0x280, s25;
	_ =	swait.ge [sflag:s14], $0x1400  }
0x34: {  	s26 =	sshra.s32 s26, $0x2;
	[sflag:s14] =	ssyncset.done $0x0  }
0x35: {  	s28 =	sadd.s32 $0x4E20, s26;
	[sflag:s14] =	ssyncadd.s32 $0xFFFFEC00  }
0x36: {  	[spmem:s2] =	stream.indirect.scatter.add.f32 [tilespmem:s17], [sflag:$0x3], $0x40, s28, s16, $0xb8;
	[tilespmem:$0x16440] =	vst v63  }
0x37: {  	_ =	swait.ge [sflag:s15], $0x1400  }
0x38: {  	[sflag:s15] =	ssyncset.done $0x0  }
0x39: {  	s28 =	sadd.s32 $0x4E70, s26;
	[sflag:s15] =	ssyncadd.s32 $0xFFFFEC00  }
0x3a: {  	[spmem:s2] =	stream.indirect.scatter.add.f32 [tilespmem:s18], [sflag:$0x4], $0x40, s28, s16, $0xb8;
	[tilespmem:$0x16440] =	vst v63  }
0x3b: {  	_ =	swait.ge [sflag:s13], $0x1400  }
0x3c: {  	[sflag:s13] =	ssyncset.done $0x0  }
.Ltmp0:
0x3d: {  	s28 =	sadd.s32 $0xA0, s26;
	[sflag:s13] =	ssyncadd.s32 $0xFFFFEC00;
	(pc) =	sbr.rel @p0 .LBB2_2-.Ltmp0, $4  }
0x3e: {  	[tilespmem:s17], [sflag:$0x1] =	stream.indirect.gather [hbm4b:s8+s16], $0x40, s28, s16, $0xb8;
	[tilespmem:$0x16440] =	vst v63  }
0x3f: {  	_ =	swait.ge [sflag:s19], $0x1400  }
0x40: {  	[sflag:s19] =	ssyncset.done $0x0  }
0x41: {  	s26 =	sadd.s32 $0xF0, s26;
	[sflag:s19] =	ssyncadd.s32 $0xFFFFEC00  }
0x42: {  	[tilespmem:s18], [sflag:$0x2] =	stream.indirect.gather [hbm4b:s8+s16], $0x40, s26, s16, $0xb8;
	[tilespmem:$0x16440] =	vst v63  }
0x43: {  	_ =	swait.ge [sflag:s14], $0x1400  }
0x44: {  	[sflag:s14] =	ssyncset.done $0x0  }
0x45: {  	[sflag:s14] =	ssyncadd.s32 $0xFFFFEC00  }
0x46: {  	[spmem:s2] =	stream.indirect.scatter.add.f32 [tilespmem:s17], [sflag:$0x3], $0x40, s20, s16, $0xb8;
	[tilespmem:$0x16440] =	vst v63  }
0x47: {  	_ =	swait.ge [sflag:s15], $0x1400  }
0x48: {  	[sflag:s15] =	ssyncset.done $0x0  }
0x49: {  	[sflag:s15] =	ssyncadd.s32 $0xFFFFEC00  }
0x4a: {  	[spmem:s2] =	stream.indirect.scatter.add.f32 [tilespmem:s18], [sflag:$0x4], $0x40, s21, s16, $0xb8;
	[tilespmem:$0x16440] =	vst v63  }
0x4b: {  	_ =	swait.ge [sflag:s13], $0x1400  }
0x4c: {  	[sflag:s13] =	ssyncset.done $0x0  }
0x4d: {  	[sflag:s13] =	ssyncadd.s32 $0xFFFFEC00  }
0x4e: {  	_ =	swait.ge [sflag:s19], $0x1400  }
0x4f: {  	s24 =	sadd.s32 $0x1, s24;
	[sflag:s19] =	ssyncset.done $0x0  }
0x50: {  	p0 =	sne.s32 s24, s10;
	[sflag:s19] =	ssyncadd.s32 $0xFFFFEC00  }
.Ltmp1:
0x51: {  	[bflag:$0x0] =	sbarrier.arrive $0xFFFF;
	(pc) =	sbr.rel @p0 .LBB2_1-.Ltmp1, $4  }
0x52: {  	[hbm:s9], [sflag:s22] =	dma.local [spmem:s11], $0x1400  }
0x53: {  	_ =	swait.ge [sflag:s23], $0x1400  }
0x54: {  	[sflag:s23] =	ssyncset.done $0x0  }
0x55: {  	[sflag:s23] =	ssyncadd.s32 $0xFFFFEC00  }
0x56: {  	_ =	sfence.sel $0x180000  }
0x57: {  	[bflag:$0x0] =	sbarrier.arrive $0xFFFF  }
0x58: {  	p0 =	sne.s32 s1, $0x0;
	_ =	strace $0x9000004A  }
0x59: {  	s0 =	sadd.s32 @!p0 $0x100000, s0;
	[bflag:$0x2] =	sbarrier.arrive $0xFFFF  }
0x5a: {  	[sflag:s0] =	ssyncadd.tile.s32 @!p0 $0x1;
	_ =	shalt  }
.Lfunc_end2:
_tile_overlayer_lowered:
.L_overlay_start_2:
0x5b: {  	(tag) =	ssettag $0x2  }
0x5c: {  	s0 =	rddreg [dreg:$0x0];
	s2 =	stileid.u32  }
0x5d: {  	s1 =	rddreg [dreg:$0x1];
	p0 =	sne.s32 s2, $0x0  }
0x5e: {  	s3 =	rddreg [dreg:$0x2];
	[bflag:$0x3] =	sbarrier.arrive $0xFFFF;
	s2 =	simm.s32 @!p0 $0x1C05  }
0x5f: {  	[timem:s3], [sflag:s2] =	dma.local @!p0 [hbm:s0], s1  }
0x60: {  	s0 =	simm.s32 @!p0 $0x5  }
0x61: {  	_ =	swait.ge @!p0 [sflag:s0], s1  }
0x62: {  	s1 =	ssub.s32 @!p0 $0x0, s1;
	[sflag:s0] =	ssyncset.done @!p0 $0x0  }
0x63: {  	[sflag:s0] =	ssyncadd.s32 @!p0 s1  }
0x64: {  	[bflag:$0x3] =	sbarrier.arrive $0xFFFF  }
0x65: {  	_ =	shalt  }

// kernel: kernel.13.cloned.1.call-start
scs
__scs_entry_jumppad:
0x0: {  	(pc) =	sbr.rel $0x88, $3  }
0x1: {  	(tag) =	ssettag $0x0;
	lr =	simm.s32 $0x1  }
0x2: {  	[smem:$0x3F9B] =	sst lr;
	_ =	strace $0xD0000000  }
0x3: {  	_ = 	snop  }
0x4: {  	_ = 	snop  }
0x5: {  	_ = 	snop  }
0x6: {  	_ = 	snop  }
0x7: {  	_ = 	snop  }
__scs_overlays_trampoline_lowered:
0x8: {  	[smem:$0x3FAA] =	sst s0  }
0x9: {  	[smem:$0x3FAB] =	sst s1  }
0xa: {  	[smem:$0x3FAC] =	sst s2  }
0xb: {  	[smem:$0x3FAD] =	sst s3  }
0xc: {  	[smem:$0x3FAE] =	sst s4  }
0xd: {  	[smem:$0x3FAF] =	sst s5  }
0xe: {  	[smem:$0x3FB0] =	sst s6  }
0xf: {  	[smem:$0x3FB1] =	sst s7  }
0x10: {  	[smem:$0x3FB2] =	sst s8  }
0x11: {  	[smem:$0x3FB3] =	sst s9;
	s0 =	simm.s32 @!p0 $0x0  }
0x12: {  	s1 =	sld [smem:$0x3F99];
	s0 =	simm.s32 @p0 $0x1  }
0x13: {  	[smem:$0x3FB4] =	sst s0;
	s0 =	simm.s32 @!p1 $0x0  }
0x14: {  	s2 =	sld [smem:$0x3F98];
	s0 =	simm.s32 @p1 $0x1  }
0x15: {  	[smem:$0x3FB5] =	sst s0;
	s0 =	simm.s32 @!p2 $0x0  }
0x16: {  	s3 =	sld [smem:$0x3FDB];
	s0 =	simm.s32 @p2 $0x1  }
0x17: {  	s4 =	simm.s32 $0x1BF5;
	[smem:$0x3FB7] =	sst s0  }
0x18: {  	s0 =	sld [smem:$0x3F9A];
	_ =	swait.ge [sflag:s4], $0x0  }
0x19: {  	s7 =	sld [smem:$0x3F9B]  }
0x1a: {  	s8 =	sadd.s32 $0xFFFFE003, lr  }
0x1b: {  	s9 =	sadd.s32 $0xFFFFFEF7, lr;
	s5 =	simm.s32 $0xFFFFFFFF;
	p2 =	slt.u32 s8, $0xFFFFF086  }
0x1c: {  	p1 =	slt.u32 s9, $0xF7A;
	s5 =	simm.s32 @!p2 $0x0  }
0x1d: {  	s5 =	simm.s32 @p1 $0x1;
	p0 =	seq.s32 s7, s2  }
0x1e: {  	s7 =	smul.u32 @!p0 $0xF7A, s2;
	p2 =	seq.s32 @!p0 s5, $0x0  }
0x1f: {  	s9 =	smul.u32 $0xF7A, s1;
	s8 =	simm.s32 @!p0 $0x1BF5;
	p2 =	por !p2, p0  }
0x20: {  	[sflag:s8] =	ssyncset.s32 @!p0 $0xFFFFF086;
	s6 =	sadd.s32 @!p0 s3, s7;
	s7 =	simm.s32 @!p0 $0x108  }
0x21: {  	s3 =	sadd.s32 s3, s9;
	s6 =	sadd.s32 @!p0 $0x88, s6;
	s7 =	simm.s32 @p2 $0x1082  }
0x22: {  	[simem:s7], [sflag:s8] =	dma.local @!p0 [hbm:s6], $0xF7A  }
0x23: {  	s9 =	sor.u32 $0xD0000000, s2;
	s6 =	simm.s32 $0x108;
	_ =	swait.ge @!p0 [sflag:s8], $0x0  }
0x24: {  	s3 =	sadd.s32 $0x88, s3;
	s6 =	simm.s32 @!p1 $0x1082;
	[sflag:s4] =	ssyncset.s32 $0xFFFFF086  }
0x25: {  	[simem:s6], [sflag:s4] =	dma.local [hbm:s3], $0xF7A  }
0x26: {  	[smem:$0x3F9B] =	sst s1;
	(tag) =	ssettag s2;
	_ =	strace s9  }
0x27: {  	s1 =	sld [smem:$0x3FAB]  }
0x28: {  	s2 =	sld [smem:$0x3FAC]  }
0x29: {  	s4 =	sld [smem:$0x3FAE]  }
0x2a: {  	p0 =	seq.s32 s5, $0x0;
	s5 =	sld [smem:$0x3FAF]  }
0x2b: {  	s6 =	sld [smem:$0x3FB0]  }
0x2c: {  	s7 =	sld [smem:$0x3FB1]  }
0x2d: {  	s3 =	simm.s32 $0x108;
	s8 =	sld [smem:$0x3FB2]  }
0x2e: {  	s3 =	simm.s32 @!p0 $0x1082;
	s9 =	sld [smem:$0x3FB3]  }
0x2f: {  	lr =	sadd.s32 s0, s3;
	s0 =	sld [smem:$0x3FAA]  }
0x30: {  	s3 =	sld [smem:$0x3FAD]  }
0x31: {  	[smem:$0x3FB6] =	sst s10  }
0x32: {  	s10 =	sld [smem:$0x3FB4];
	_ =	sdelay $0x3  }
0x33: {  	p0 =	seq.s32 s10, $0x1;
	s10 =	sld [smem:$0x3FB6];
	_ =	sdelay $0x3  }
0x34: {  	[smem:$0x3FB6] =	sst s10  }
0x35: {  	s10 =	sld [smem:$0x3FB5];
	_ =	sdelay $0x3  }
0x36: {  	p1 =	seq.s32 s10, $0x1;
	s10 =	sld [smem:$0x3FB6];
	_ =	sdelay $0x3  }
0x37: {  	[smem:$0x3FB6] =	sst s10  }
0x38: {  	s10 =	sld [smem:$0x3FB7]  }
0x39: {  	_ = 	snop;
	(pc) =	sbr.ind lr, $3  }
0x3a: {  	_ = 	snop  }
0x3b: {  	_ = 	snop  }
0x3c: {  	p2 =	seq.s32 s10, $0x1;
	s10 =	sld [smem:$0x3FB6]  }
0x3d: {  	_ =	shalt  }
0x3e: {  	_ =	shalt  }
0x3f: {  	_ =	shalt  }
0x40: {  	_ =	shalt  }
0x41: {  	_ =	shalt  }
0x42: {  	_ =	shalt  }
0x43: {  	_ =	shalt  }
0x44: {  	_ =	shalt  }
0x45: {  	_ =	shalt  }
0x46: {  	_ =	shalt  }
0x47: {  	_ =	shalt  }
0x48: {  	_ =	shalt  }
0x49: {  	_ =	shalt  }
0x4a: {  	_ =	shalt  }
0x4b: {  	_ =	shalt  }
0x4c: {  	_ =	shalt  }
0x4d: {  	_ =	shalt  }
0x4e: {  	_ =	shalt  }
0x4f: {  	_ =	shalt  }
0x50: {  	_ =	shalt  }
0x51: {  	_ =	shalt  }
0x52: {  	_ =	shalt  }
0x53: {  	_ =	shalt  }
0x54: {  	_ =	shalt  }
0x55: {  	_ =	shalt  }
0x56: {  	_ =	shalt  }
0x57: {  	_ =	shalt  }
0x58: {  	_ =	shalt  }
0x59: {  	_ =	shalt  }
0x5a: {  	_ =	shalt  }
0x5b: {  	_ =	shalt  }
0x5c: {  	_ =	shalt  }
0x5d: {  	_ =	shalt  }
0x5e: {  	_ =	shalt  }
0x5f: {  	_ =	shalt  }
0x60: {  	_ =	shalt  }
0x61: {  	_ =	shalt  }
0x62: {  	_ =	shalt  }
0x63: {  	_ =	shalt  }
0x64: {  	_ =	shalt  }
0x65: {  	_ =	shalt  }
0x66: {  	_ =	shalt  }
0x67: {  	_ =	shalt  }
0x68: {  	_ =	shalt  }
0x69: {  	_ =	shalt  }
0x6a: {  	_ =	shalt  }
0x6b: {  	_ =	shalt  }
0x6c: {  	_ =	shalt  }
0x6d: {  	_ =	shalt  }
0x6e: {  	_ =	shalt  }
0x6f: {  	_ =	shalt  }
0x70: {  	_ =	shalt  }
0x71: {  	_ =	shalt  }
0x72: {  	_ =	shalt  }
0x73: {  	_ =	shalt  }
0x74: {  	_ =	shalt  }
0x75: {  	_ =	shalt  }
0x76: {  	_ =	shalt  }
0x77: {  	_ =	shalt  }
0x78: {  	_ =	shalt  }
0x79: {  	_ =	shalt  }
0x7a: {  	_ =	shalt  }
0x7b: {  	_ =	shalt  }
0x7c: {  	_ =	shalt  }
0x7d: {  	_ =	shalt  }
0x7e: {  	_ =	shalt  }
0x7f: {  	_ =	shalt  }
0x80: {  	_ =	shalt  }
0x81: {  	_ =	shalt  }
0x82: {  	_ =	shalt  }
0x83: {  	_ =	shalt  }
0x84: {  	_ =	shalt  }
0x85: {  	_ =	shalt  }
0x86: {  	_ =	shalt  }
0x87: {  	_ =	shalt  }
.Lfunc_end0:
.L_simem_size_0:
called_computation.2_lowered:
.L_overlay_start_0:
0x88: {  	s2 =	sld [smem:$0x3FD9]  }
0x89: {  	s3 =	sld [smem:$0x3FFE];
	_ =	sdelay $0x1  }
0x8a: {  	s1 =	srdreg.scid  }
0x8b: {  	s0 =	sand.u32 $0x1, s1  }
0x8c: {  	s17 =	sshll.u32 s0, $0xA;
	s2 =	sadd.s32 s3, s2  }
0x8d: {  	s2 =	sadd.s32 s2, s17  }
0x8e: {  	[smem:$0x3FC2] =	sst s2  }
0x8f: {  	_ = 	snop  }
0x90: {  	s2 =	sld [smem:$0x3FD0];
	(tm) =	ssettm $0x1  }
0x91: {  	s18 =	sld [smem:$0x3FFB];
	_ =	sdelay $0x3  }
0x92: {  	_ =	strace s18  }
0x93: {  	s3 =	sld [smem:$0x3FFC];
	_ =	sdelay $0x3  }
0x94: {  	_ =	strace s3  }
0x95: {  	s3 =	sld [smem:$0x3FFD];
	_ =	sdelay $0x3  }
0x96: {  	_ =	strace s3  }
0x97: {  	_ =	strace $0x8FFFFFFF  }
0x98: {  	s19 =	sld [smem:$0x3FDB];
	_ =	sdelay $0x1  }
0x99: {  	s4 =	simm.s32 $_scs_section_size  }
0x9a: {  	s5 =	simm.s32 $_size__tile_overlayer_lowered;
	s6 =	simm.s32 $_tile_overlayer_lowered  }
0x9b: {  	s22 =	simm.s32 $0x1BFF;
	s21 =	sshll.u32 s6, $0x1;
	s3 =	sadd.s32 s4, s19  }
0x9c: {  	s7 =	simm.s32 $0x0;
	s20 =	sshll.u32 s5, $0x1;
	s5 =	sadd.s32 s21, s3  }
0x9d: {  	[timem:s7], [sflag:s22] =	dma.local [hbm:s5], s20  }
0x9e: {  	_ =	swait.ge [sflag:s22], s20  }
0x9f: {  	s4 =	ssub.s32 $0x0, s20;
	[sflag:s22] =	ssyncset.done $0x0  }
0xa0: {  	[sflag:s22] =	ssyncadd.s32 s4;
	_ =	sdelay $0x1  }
0xa1: {  	s23 =	simm.s32 $0x1B8B  }
0xa2: {  	_ =	swait.ge [sflag:s23], $0x1  }
0xa3: {  	[sflag:s23] =	ssyncset.done $0x0  }
0xa4: {  	s25 =	simm.s32 $0x1B8E;
	s24 =	sld [smem:$0x3FFE];
	[sflag:s23] =	ssyncadd.s32 $0xFFFFFFFF  }
0xa5: {  	s26 =	simm.s32 $execute0_lowered;
	[smem:$0x3FD2] =	sst s25  }
0xa6: {  	s5 =	sshll.u32 s26, $0x1;
	_ =	strace $0x8000004C;
	[dreg:$0x1] =	wrdreg $0xFFFFFFFF  }
0xa7: {  	s28 =	simm.s32 $_size_execute0_lowered;
	s3 =	sadd.s32 s3, s5;
	[dreg:$0x0] =	wrdreg $0x0  }
0xa8: {  	s5 =	sshll.u32 s28, $0x1;
	[dreg:$0x2] =	wrdreg s3  }
0xa9: {  	[dreg:$0x3] =	wrdreg s5  }
0xaa: {  	[dreg:$0x4] =	wrdreg $0xC0  }
0xab: {  	_ =	task [dreg:s7], $0x5FFFF  }
0xac: {  	[dreg:$0x1] =	wrdreg $0xFFFFFFFF  }
0xad: {  	[dreg:$0x0] =	wrdreg $0x60  }
0xae: {  	[dreg:$0x2] =	wrdreg s2  }
0xaf: {  	[dreg:$0x3] =	wrdreg s24  }
0xb0: {  	[dreg:$0x4] =	wrdreg $0x9  }
0xb1: {  	_ =	task.clear_ibuf [dreg:s7], $0x5FFFF;
	_ =	strace $0x9000004C  }
0xb2: {  	s29 =	simm.s32 $0x9;
	_ =	strace $0x8000004E  }
0xb3: {  	_ =	swait.ge [sflag:s29], $0x1  }
0xb4: {  	[sflag:s29] =	ssyncadd.s32 $0xFFFFFFFF  }
0xb5: {  	_ =	strace $0x9000004E  }
0xb6: {  	_ =	sfence  }
0xb7: {  	s30 =	sld [smem:$0x0];
	_ =	sdelay $0x2  }
0xb8: {  	s31 =	sshll.u32 s1, $0xD;
	s1 =	sshrl.u32 s1, $0x2  }
0xb9: {  	s3 =	sand.u32 $0x4000, s31;
	s1 =	sadd.s32 s1, s30  }
0xba: {  	s0 =	sor.u32 s3, s0;
	s1 =	sshll.u32 s1, $0x11  }
0xbb: {  	s0 =	sor.u32 s1, s0  }
0xbc: {  	s0 =	sadd.s32 $0x8F2B, s0  }
0xbd: {  	[sflag:s0] =	ssyncadd.remote.s32 $0x1  }
0xbe: {  	_ =	sfence.sel $0xFFFF  }
0xbf: {  	[dreg:$0x0] =	wrdreg $0xFFFFFFFF;
	(pc) =	sbr.abs _section_cstart, $3  }
0xc0: {  	[dreg:$0x1] =	wrdreg $0xFFFFFFFF  }
0xc1: {  	_ =	task.clear_ibuf [dreg:s7], $0x2FFFF;
	_ =	strace $0x9FFFFFFF  }
0xc2: {  	(tm) =	ssettm $0x7FFFFFFF  }
0xc3: {  	_ =	shalt  }
tec
execute0_lowered:
.L_overlay_start_1:
0x0: {  	(tag) =	ssettag $0x1  }
0x1: {  	s5 =	rddreg [dreg:$0x0]  }
0x2: {  	s1 =	srdreg.scid;
	s0 =	stileid.u32  }
0x3: {  	s6 =	rddreg [dreg:$0x1];
	s2 =	simm.s32 $0x0;
	s11 =	simm.s32 $0x4E20  }
0x4: {  	s12 =	simm.s32 $0x7620;
	s13 =	simm.s32 $0x1;
	s14 =	simm.s32 $0x2  }
0x5: {  	s15 =	simm.s32 $0x3;
	s16 =	simm.s32 $0x4;
	s17 =	simm.s32 $0x9E20  }
0x6: {  	s18 =	simm.s32 $0x5;
	s19 =	simm.s32 $0xC530;
	s20 =	simm.s32 $0x0  }
0x7: {  	s4 =	sand.u32 $0x1, s1;
	s3 =	sshll.u32 s0, $0x1;
	s1 =	rddreg [dreg:$0x2]  }
0x8: {  	[smem:$0x7FF] =	sst s2;
	s3 =	sor.u32 s4, s3;
	s4 =	ssub.s32 $0x2, s4  }
0x9: {  	s8 =	sadd.s32 $0x2800, s6;
	s7 =	smul.u32 $0x2710, s3;
	s9 =	sshrl.u32 s4, $0x1  }
0xa: {  	_ =	strace $0x8000004D;
	s3 =	sadd.s32 $0x1E00, s6;
	s9 =	ssub.s32 s4, s9  }
0xb: {  	s6 =	sadd.s32 $0x2300, s6;
	s7 =	sshrl.u32 s7, $0x3;
	s9 =	smax.u32 s9, $0x1  }
0xc: {  	s10 =	sadd.s32 $0x9C40, s7;
	s4 =	sadd.s32 s5, s7;
	s7 =	sadd.s32 s8, s7  }
0xd: {  	s5 =	sadd.s32 s5, s10;
	s8 =	sadd.s32 s8, s10;
	s10 =	simm.s32 $0x2710  }
.LBB2_1:
0xe: {  	[tilespmem:s2], [sflag:$0x1] =	stream.linear.gather [hbm4b:s4+s2], $0x2710, $0x38;
	[tilespmem:$0xEC40] =	vst v63  }
0xf: {  	_ = 	snop  }
0x10: {  	[tilespmem:s10], [sflag:$0x2] =	stream.linear.gather [hbm4b:s5+s2], $0x2710, $0x38;
	[tilespmem:$0xEC40] =	vst v63  }
0x11: {  	_ = 	snop  }
0x12: {  	[tilespmem:s11], [sflag:$0x3] =	stream.linear.gather [hbm4b:s3+s2], $0x2800, $0x38;
	[tilespmem:$0xEC40] =	vst v63  }
0x13: {  	_ = 	snop  }
0x14: {  	[tilespmem:s12], [sflag:$0x4] =	stream.linear.gather [hbm4b:s6+s2], $0x2800, $0x38;
	[tilespmem:$0xEC40] =	vst v63  }
0x15: {  	_ =	swait.ge [sflag:s13], $0x2710  }
0x16: {  	[sflag:s13] =	ssyncset.done $0x0  }
0x17: {  	[sflag:s13] =	ssyncadd.s32 $0xFFFFD8F0  }
0x18: {  	_ =	swait.ge [sflag:s14], $0x2710  }
0x19: {  	[sflag:s14] =	ssyncset.done $0x0  }
0x1a: {  	[sflag:s14] =	ssyncadd.s32 $0xFFFFD8F0  }
0x1b: {  	_ =	swait.ge [sflag:s15], $0x2800  }
0x1c: {  	[sflag:s15] =	ssyncset.done $0x0  }
0x1d: {  	[sflag:s15] =	ssyncadd.s32 $0xFFFFD800  }
0x1e: {  	_ =	swait.ge [sflag:s16], $0x2800  }
0x1f: {  	[sflag:s16] =	ssyncset.done $0x0  }
0x20: {  	s21 =	simm.s32 $0x2750;
	[sflag:s16] =	ssyncadd.s32 $0xFFFFD800  }
0x21: {  	s22 =	simm.s32 $0x40;
	v0 =	vld [tilespmem:s21+$0x30]  }
0x22: {  	v1 =	vld [tilespmem:s22+$0x30]  }
0x23: {  	v2 =	vld [tilespmem:s21+$0xFFFFFFC0]  }
0x24: {  	v3 =	vld [tilespmem:s22+$0xFFFFFFD0]  }
0x25: {  	v4 =	vld [tilespmem:s21+$0xFFFFFFD0]  }
0x26: {  	v5 =	vld [tilespmem:s22+$0xFFFFFFE0]  }
0x27: {  	v6 =	vld [tilespmem:s21+$0xFFFFFFE0]  }
0x28: {  	v7 =	vld [tilespmem:s22+$0xFFFFFFF0]  }
0x29: {  	v0 =	vld.idx.msk [tilespmem:v0+s11+$0x0], $0xffff  }
0x2a: {  	v1 =	vld.idx.msk [tilespmem:v1+s12+$0x0], $0xffff  }
0x2b: {  	v8 =	vld [tilespmem:s21+$0xFFFFFFF0]  }
0x2c: {  	v9 =	vld [tilespmem:s22+$0x0]  }
0x2d: {  	v10 =	vld [tilespmem:s21+$0x0]  }
0x2e: {  	v11 =	vld [tilespmem:s22+$0x10]  }
0x2f: {  	v12 =	vld [tilespmem:s21+$0x10];
	v0 =	vadd.f32 v1, v0  }
0x30: {  	v13 =	vld [tilespmem:s22+$0x20]  }
0x31: {  	v14 =	vld [tilespmem:s22+$0xFFFFFFC0];
	v0 =	vsub.f32 $0.0e+00, v0  }
0x32: {  	v2 =	vld.idx.msk [tilespmem:v2+s11+$0x0], $0xffff  }
0x33: {  	v4 =	vld.idx.msk [tilespmem:v4+s11+$0x0], $0xffff;
	v0 =	vmul.f32 $1.442695020e+00, v0  }
0x34: {  	v3 =	vld.idx.msk [tilespmem:v3+s12+$0x0], $0xffff  }
0x35: {  	v6 =	vld.idx.msk [tilespmem:v6+s11+$0x0], $0xffff;
	(erf) = vpow2.f32 v0  }
0x36: {  	v1 =	vld [tilespmem:s21+$0x20]  }
0x37: {  	v0 =	vld.idx.msk [tilespmem:v5+s12+$0x0], $0xffff  }
0x38: {  	v7 =	vld.idx.msk [tilespmem:v7+s12+$0x0], $0xffff  }
0x39: {  	v5 =	vld.idx.msk [tilespmem:v8+s11+$0x0], $0xffff  }
0x3a: {  	v3 =	vadd.f32 v3, v4;
	v8 =	vld.idx.msk [tilespmem:v14+s12+$0x0], $0xffff  }
0x3b: {  	v9 =	vld.idx.msk [tilespmem:v9+s12+$0x0], $0xffff  }
0x3c: {  	v4 =	vld.idx.msk [tilespmem:v10+s11+$0x0], $0xffff;
	v3 =	vsub.f32 $0.0e+00, v3;
	v0 =	vadd.f32 v0, v6  }
0x3d: {  	v10 =	vld.idx.msk [tilespmem:v11+s12+$0x0], $0xffff  }
0x3e: {  	v3 =	vmul.f32 $1.442695020e+00, v3;
	v1 =	vld.idx.msk [tilespmem:v1+s11+$0x0], $0xffff;
	v5 =	vadd.f32 v7, v5;
	v0 =	vsub.f32 $0.0e+00, v0;
	v11 =	vpop (erf)  }
0x3f: {  	s31 =	simm.s32 $0x27D0;
	v6 =	vld.idx.msk [tilespmem:v12+s11+$0x0], $0xffff;
	v2 =	vadd.f32 v8, v2;
	v11 =	vadd.f32 $1.000000000e+00, v11  }
0x40: {  	s21 =	simm.s32 $0xC0;
	v8 =	vld [tilespmem:s31+$0x30];
	v0 =	vmul.f32 $1.442695020e+00, v0;
	(erf) = vpow2.f32 v3;
	v3 =	vsub.f32 $0.0e+00, v5  }
0x41: {  	v4 =	vadd.f32 v9, v4;
	v2 =	vsub.f32 $0.0e+00, v2;
	v5 =	vld [tilespmem:s21+$0x30];
	(erf) = vrcp.f32 v11  }
0x42: {  	v7 =	vld.idx.msk [tilespmem:v13+s12+$0x0], $0xffff;
	(erf) = vpow2.f32 v0;
	v0 =	vmul.f32 $1.442695020e+00, v3  }
0x43: {  	v4 =	vsub.f32 $0.0e+00, v4;
	v2 =	vmul.f32 $1.442695020e+00, v2  }
0x44: {  	v6 =	vadd.f32 v10, v6;
	(erf) = vpow2.f32 v0  }
0x45: {  	v4 =	vmul.f32 $1.442695020e+00, v4;
	(erf) = vpow2.f32 v2  }
0x46: {  	v15 =	vld [tilespmem:s31+$0x10];
	v6 =	vsub.f32 $0.0e+00, v6  }
0x47: {  	v9 =	vld [tilespmem:s31+$0xFFFFFFC0];
	v1 =	vadd.f32 v7, v1;
	(erf) = vpow2.f32 v4  }
0x48: {  	v4 =	vmul.f32 $1.442695020e+00, v6;
	v6 =	vld.idx.msk [tilespmem:v8+s11+$0x0], $0xffff  }
0x49: {  	v1 =	vsub.f32 $0.0e+00, v1;
	v5 =	vld.idx.msk [tilespmem:v5+s12+$0x0], $0xffff  }
0x4a: {  	v10 =	vld [tilespmem:s31+$0xFFFFFFD0];
	v8 =	vpop (erf);
	(erf) = vpow2.f32 v4  }
0x4b: {  	v7 =	vld [tilespmem:s31+$0xFFFFFFE0];
	v1 =	vmul.f32 $1.442695020e+00, v1;
	v11 =	vpop (erf)  }
0x4c: {  	v12 =	vld [tilespmem:s21+$0x0];
	v8 =	vadd.f32 $1.000000000e+00, v8;
	v13 =	vpop (erf)  }
0x4d: {  	v3 =	vld [tilespmem:s21+$0xFFFFFFD0];
	(erf) = vpow2.f32 v1;
	v13 =	vadd.f32 $1.000000000e+00, v13;
	v14 =	vpop (erf)  }
0x4e: {  	v0 =	vld [tilespmem:s21+$0xFFFFFFE0];
	(erf) = vrcp.f32 v8;
	v5 =	vadd.f32 v5, v6;
	v6 =	vpop (erf)  }
0x4f: {  	v18 =	vld.idx.msk [tilespmem:v9+s11+$0x0], $0xffff;
	(erf) = vrcp.f32 v13;
	v13 =	vadd.f32 $1.000000000e+00, v14;
	v6 =	vadd.f32 $1.000000000e+00, v6  }
0x50: {  	v2 =	vld [tilespmem:s21+$0xFFFFFFF0];
	v17 =	vpop (erf)  }
0x51: {  	v4 =	vld [tilespmem:s31+$0xFFFFFFF0];
	(erf) = vrcp.f32 v13;
	v17 =	vadd.f32 $1.000000000e+00, v17  }
0x52: {  	v9 =	vld.idx.msk [tilespmem:v10+s11+$0x0], $0xffff;
	v5 =	vsub.f32 $0.0e+00, v5;
	(erf) = vrcp.f32 v6  }
0x53: {  	v7 =	vld.idx.msk [tilespmem:v7+s11+$0x0], $0xffff;
	v6 =	vpop (erf);
	(erf) = vrcp.f32 v17  }
0x54: {  	s22 =	simm.s32 $0x9E60;
	v1 =	vld [tilespmem:s31+$0x0];
	v10 =	vsub.f32 $1.000000000e+00, v11;
	v5 =	vmul.f32 $1.442695020e+00, v5  }
0x55: {  	s23 =	simm.s32 $0xC570;
	v3 =	vld.idx.msk [tilespmem:v3+s12+$0x0], $0xffff;
	[tilespmem:s22+$0x30] =	vst v11  }
0x56: {  	[tilespmem:s23+$0x30] =	vst v10;
	v10 =	vld.idx.msk [tilespmem:v0+s12+$0x0], $0xffff  }
0x57: {  	v13 =	vld [tilespmem:s21+$0xFFFFFFC0];
	v62 =	vpop (erf)  }
0x58: {  	v14 =	vld [tilespmem:s21+$0x20];
	v6 =	vadd.f32 $1.000000000e+00, v6;
	(erf) = vpow2.f32 v5;
	v5 =	vpop (erf)  }
0x59: {  	v0 =	vsub.f32 $1.000000000e+00, v5;
	[tilespmem:s22+$0xFFFFFFD0] =	vst v5;
	v5 =	vld.idx.msk [tilespmem:v4+s11+$0x0], $0xffff;
	v4 =	vpop (erf)  }
0x5a: {  	v11 =	vadd.f32 $1.000000000e+00, v62;
	(erf) = vrcp.f32 v6;
	v6 =	vld.idx.msk [tilespmem:v2+s12+$0x0], $0xffff;
	v2 =	vsub.f32 $1.000000000e+00, v4;
	[tilespmem:s22+$0xFFFFFFE0] =	vst v4;
	v4 =	vpop (erf)  }
0x5b: {  	v8 =	vld [tilespmem:s21+$0x10];
	v63 =	vsub.f32 $1.000000000e+00, v4;
	[tilespmem:s22+$0xFFFFFFF0] =	vst v4;
	v4 =	vpop (erf)  }
0x5c: {  	v16 =	vld [tilespmem:s31+$0x20];
	v7 =	vadd.f32 v10, v7;
	v10 =	vpop (erf);
	(erf) = vrcp.f32 v11;
	_ =	sdelay $0x1  }
0x5d: {  	v9 =	vadd.f32 v3, v9;
	v3 =	vld.idx.msk [tilespmem:v12+s12+$0x0], $0xffff  }
0x5e: {  	[tilespmem:s23+$0xFFFFFFD0] =	vst v0;
	v13 =	vld.idx.msk [tilespmem:v13+s12+$0x0], $0xffff  }
0x5f: {  	v12 =	vsub.f32 $0.0e+00, v9;
	v9 =	vsub.f32 $0.0e+00, v7;
	v7 =	vld.idx.msk [tilespmem:v14+s12+$0x0], $0xffff;
	[tilespmem:s23+$0xFFFFFFE0] =	vst v2  }
0x60: {  	v0 =	vld.idx.msk [tilespmem:v1+s11+$0x0], $0xffff;
	[tilespmem:s22+$0xFFFFFFC0] =	vst v4  }
0x61: {  	v1 =	vld.idx.msk [tilespmem:v15+s11+$0x0], $0xffff;
	v15 =	vsub.f32 $1.000000000e+00, v4;
	[tilespmem:s23+$0xFFFFFFF0] =	vst v63  }
0x62: {  	v2 =	vld.idx.msk [tilespmem:v8+s12+$0x0], $0xffff;
	v8 =	vadd.f32 v6, v5;
	v11 =	vmul.f32 $1.442695020e+00, v12;
	v4 =	vsub.f32 $1.000000000e+00, v10;
	v6 =	vpop (erf);
	[tilespmem:s22+$0x0] =	vst v10  }
0x63: {  	s24 =	simm.s32 $0x80;
	s25 =	simm.s32 $0x2850;
	v5 =	vld.idx.msk [tilespmem:v16+s11+$0x0], $0xffff;
	v10 =	vadd.f32 v13, v18;
	[tilespmem:s23+$0xFFFFFFC0] =	vst v15;
	v12 =	vadd.f32 $1.000000000e+00, v6;
	v6 =	vpop (erf)  }
.LBB2_2:
0x64: {  	v13 =	vld [tilespmem:s25+$0x30];
	v9 =	vmul.f32 $1.442695020e+00, v9;
	v8 =	vsub.f32 $0.0e+00, v8;
	s21 =	sadd.s32 $0x80, s21;
	(erf) = vpow2.f32 v11;
	[tilespmem:s23+$0x0] =	vst v4;
	v4 =	vpop (erf)  }
0x65: {  	s24 =	sadd.s32 $0x80, s24;
	v0 =	vadd.f32 v3, v0;
	v11 =	vld [tilespmem:s21+$0x30];
	v10 =	vsub.f32 $0.0e+00, v10;
	(erf) = vrcp.f32 v12;
	[tilespmem:s22+$0x10] =	vst v6  }
0x66: {  	p0 =	slt.u32 s24, $0x2680;
	v6 =	vsub.f32 $1.000000000e+00, v6;
	v3 =	vld [tilespmem:s25+$0xFFFFFFC0];
	v8 =	vmul.f32 $1.442695020e+00, v8;
	(erf) = vpow2.f32 v9;
	[tilespmem:s22+$0x20] =	vst v4  }
0x67: {  	v0 =	vsub.f32 $0.0e+00, v0;
	v1 =	vadd.f32 v2, v1;
	v9 =	vld [tilespmem:s21+$0xFFFFFFD0];
	v10 =	vmul.f32 $1.442695020e+00, v10  }
0x68: {  	v4 =	vsub.f32 $1.000000000e+00, v4;
	v2 =	vld [tilespmem:s25+$0xFFFFFFD0];
	(erf) = vpow2.f32 v8;
	[tilespmem:s23+$0x10] =	vst v6  }
0x69: {  	v0 =	vmul.f32 $1.442695020e+00, v0;
	v1 =	vsub.f32 $0.0e+00, v1;
	v5 =	vadd.f32 v7, v5;
	v6 =	vld [tilespmem:s21+$0xFFFFFFE0]  }
0x6a: {  	v7 =	vld [tilespmem:s25+$0xFFFFFFE0];
	(erf) = vpow2.f32 v10;
	[tilespmem:s23+$0x20] =	vst v4  }
0x6b: {  	v1 =	vmul.f32 $1.442695020e+00, v1;
	v5 =	vsub.f32 $0.0e+00, v5;
	v4 =	vld [tilespmem:s21+$0xFFFFFFF0];
	(erf) = vpow2.f32 v0  }
0x6c: {  	v0 =	vld.idx.msk [tilespmem:v13+s11+$0x0], $0xffff  }
0x6d: {  	v5 =	vmul.f32 $1.442695020e+00, v5;
	v8 =	vld.idx.msk [tilespmem:v11+s12+$0x0], $0xffff;
	v10 =	vpop (erf);
	(erf) = vpow2.f32 v1  }
0x6e: {  	v1 =	vld [tilespmem:s25+$0xFFFFFFF0];
	v10 =	vadd.f32 $1.000000000e+00, v10;
	v11 =	vpop (erf)  }
0x6f: {  	s22 =	sadd.s32 $0x80, s22;
	v12 =	vld [tilespmem:s21+$0x0];
	v13 =	vsub.f32 $1.000000000e+00, v11;
	v14 =	vpop (erf);
	(erf) = vpow2.f32 v5  }
0x70: {  	s23 =	sadd.s32 $0x80, s23;
	v5 =	vld [tilespmem:s25+$0x0];
	v14 =	vadd.f32 $1.000000000e+00, v14;
	[tilespmem:s22+$0x30] =	vst v11;
	(erf) = vrcp.f32 v10  }
0x71: {  	v10 =	vld [tilespmem:s21+$0x10];
	[tilespmem:s23+$0x30] =	vst v13;
	v11 =	vpop (erf)  }
0x72: {  	v13 =	vld [tilespmem:s25+$0x10];
	v16 =	vadd.f32 $1.000000000e+00, v11;
	(erf) = vrcp.f32 v14  }
0x73: {  	v0 =	vadd.f32 v8, v0;
	v14 =	vld [tilespmem:s21+$0x20];
	v8 =	vpop (erf)  }
0x74: {  	v15 =	vld [tilespmem:s25+$0x20];
	v8 =	vadd.f32 $1.000000000e+00, v8;
	(erf) = vrcp.f32 v16;
	v11 =	vpop (erf)  }
0x75: {  	v0 =	vsub.f32 $0.0e+00, v0;
	v16 =	vld [tilespmem:s21+$0xFFFFFFC0];
	v11 =	vadd.f32 $1.000000000e+00, v11  }
0x76: {  	v17 =	vld.idx.msk [tilespmem:v3+s11+$0x0], $0xffff;
	(erf) = vrcp.f32 v8;
	v3 =	vpop (erf)  }
0x77: {  	v0 =	vmul.f32 $1.442695020e+00, v0;
	v2 =	vld.idx.msk [tilespmem:v2+s11+$0x0], $0xffff;
	v3 =	vadd.f32 $1.000000000e+00, v3;
	(erf) = vrcp.f32 v11  }
0x78: {  	v8 =	vld.idx.msk [tilespmem:v9+s12+$0x0], $0xffff;
	v9 =	vpop (erf)  }
0x79: {  	v7 =	vld.idx.msk [tilespmem:v7+s11+$0x0], $0xffff;
	(erf) = vpow2.f32 v0;
	v0 =	vadd.f32 $1.000000000e+00, v9;
	v9 =	vpop (erf)  }
0x7a: {  	v6 =	vld.idx.msk [tilespmem:v6+s12+$0x0], $0xffff;
	[tilespmem:s22+$0xFFFFFFD0] =	vst v9;
	v9 =	vsub.f32 $1.000000000e+00, v9;
	(erf) = vrcp.f32 v3  }
0x7b: {  	v18 =	vld.idx.msk [tilespmem:v1+s11+$0x0], $0xffff;
	v1 =	vpop (erf);
	(erf) = vrcp.f32 v0  }
0x7c: {  	v19 =	vld.idx.msk [tilespmem:v4+s12+$0x0], $0xffff;
	[tilespmem:s23+$0xFFFFFFD0] =	vst v9;
	v3 =	vsub.f32 $1.000000000e+00, v1  }
0x7d: {  	v16 =	vld.idx.msk [tilespmem:v16+s12+$0x0], $0xffff;
	[tilespmem:s22+$0xFFFFFFE0] =	vst v1;
	v1 =	vpop (erf)  }
0x7e: {  	v2 =	vadd.f32 v8, v2;
	v0 =	vld.idx.msk [tilespmem:v5+s11+$0x0], $0xffff;
	[tilespmem:s23+$0xFFFFFFE0] =	vst v3;
	v4 =	vsub.f32 $1.000000000e+00, v1  }
.Ltmp0:
0x7f: {  	v3 =	vld.idx.msk [tilespmem:v12+s12+$0x0], $0xffff;
	[tilespmem:s22+$0xFFFFFFF0] =	vst v1;
	v5 =	vpop (erf);
	(pc) =	sbr.rel @p0 .LBB2_2-.Ltmp0, $4  }
0x80: {  	v8 =	vsub.f32 $0.0e+00, v2;
	v12 =	vadd.f32 v6, v7;
	v1 =	vld.idx.msk [tilespmem:v13+s11+$0x0], $0xffff;
	[tilespmem:s22+$0xFFFFFFC0] =	vst v5;
	v7 =	vpop (erf)  }
0x81: {  	v13 =	vsub.f32 $1.000000000e+00, v5;
	v2 =	vld.idx.msk [tilespmem:v10+s12+$0x0], $0xffff;
	[tilespmem:s23+$0xFFFFFFF0] =	vst v4;
	v4 =	vsub.f32 $1.000000000e+00, v7  }
0x82: {  	v11 =	vmul.f32 $1.442695020e+00, v8;
	v9 =	vsub.f32 $0.0e+00, v12;
	v8 =	vadd.f32 v19, v18;
	v5 =	vld.idx.msk [tilespmem:v15+s11+$0x0], $0xffff;
	v6 =	vpop (erf);
	[tilespmem:s22+$0x0] =	vst v7  }
0x83: {  	s25 =	sadd.s32 $0x80, s25;
	v10 =	vadd.f32 v16, v17;
	v7 =	vld.idx.msk [tilespmem:v14+s12+$0x0], $0xffff;
	v12 =	vadd.f32 $1.000000000e+00, v6;
	[tilespmem:s23+$0xFFFFFFC0] =	vst v13;
	v6 =	vpop (erf)  }
0x84: {  	v9 =	vmul.f32 $1.442695020e+00, v9;
	(erf) = vpow2.f32 v11  }
0x85: {  	v8 =	vsub.f32 $0.0e+00, v8;
	(erf) = vrcp.f32 v12  }
0x86: {  	v0 =	vadd.f32 v3, v0;
	v10 =	vsub.f32 $0.0e+00, v10;
	(erf) = vpow2.f32 v9  }
0x87: {  	v34 =	vmul.f32 $1.442695020e+00, v8  }
0x88: {  	v0 =	vsub.f32 $0.0e+00, v0;
	v1 =	vadd.f32 v2, v1;
	v35 =	vmul.f32 $1.442695020e+00, v10  }
0x89: {  	(erf) = vpow2.f32 v34;
	v36 =	vadd.f32 v7, v5  }
0x8a: {  	v0 =	vmul.f32 $1.442695020e+00, v0;
	v1 =	vsub.f32 $0.0e+00, v1;
	(erf) = vpow2.f32 v35  }
0x8b: {  	v2 =	vsub.f32 $0.0e+00, v36  }
0x8c: {  	v37 =	vpop (erf);
	v1 =	vmul.f32 $1.442695020e+00, v1;
	(erf) = vpow2.f32 v0  }
0x8d: {  	v38 =	vmul.f32 $1.442695020e+00, v2;
	v39 =	vpop (erf)  }
0x8e: {  	(erf) = vpow2.f32 v1;
	v40 =	vadd.f32 $1.000000000e+00, v39;
	v41 =	vpop (erf)  }
0x8f: {  	(erf) = vpow2.f32 v38;
	v42 =	vpop (erf)  }
0x90: {  	v43 =	vadd.f32 $1.000000000e+00, v42;
	(erf) = vrcp.f32 v40;
	_ =	sdelay $0x1  }
0x91: {  	v44 =	vpop (erf);
	(erf) = vrcp.f32 v43  }
0x92: {  	v45 =	vadd.f32 $1.000000000e+00, v44;
	v46 =	vpop (erf)  }
0x93: {  	[tilespmem:s23+$0x0] =	vst v4;
	v1 =	vadd.f32 $1.000000000e+00, v46  }
0x94: {  	[tilespmem:s22+$0x10] =	vst v6;
	v47 =	vsub.f32 $1.000000000e+00, v6;
	v48 =	vpop (erf);
	(erf) = vrcp.f32 v45  }
0x95: {  	[tilespmem:s22+$0x20] =	vst v37;
	v3 =	vsub.f32 $1.000000000e+00, v37;
	v0 =	vadd.f32 $1.000000000e+00, v48;
	(erf) = vrcp.f32 v1  }
0x96: {  	[tilespmem:s23+$0x10] =	vst v47;
	v49 =	vpop (erf)  }
0x97: {  	s21 =	sadd.s32 $0x80, s22;
	[tilespmem:s23+$0x20] =	vst v3;
	v50 =	vsub.f32 $1.000000000e+00, v41;
	(erf) = vrcp.f32 v0;
	v51 =	vpop (erf)  }
0x98: {  	s31 =	sadd.s32 $0x80, s23;
	[tilespmem:s21+$0x30] =	vst v41;
	v1 =	vadd.f32 $1.000000000e+00, v49;
	v52 =	vpop (erf)  }
0x99: {  	[tilespmem:s31+$0x30] =	vst v50;
	v0 =	vadd.f32 $1.000000000e+00, v51;
	v53 =	vsub.f32 $1.000000000e+00, v52  }
0x9a: {  	(erf) = vrcp.f32 v1;
	[tilespmem:s21+$0xFFFFFFD0] =	vst v52;
	v54 =	vpop (erf)  }
0x9b: {  	(erf) = vrcp.f32 v0;
	[tilespmem:s31+$0xFFFFFFD0] =	vst v53;
	v55 =	vsub.f32 $1.000000000e+00, v54  }
0x9c: {  	[tilespmem:s21+$0xFFFFFFE0] =	vst v54  }
0x9d: {  	v56 =	vpop (erf);
	[tilespmem:s31+$0xFFFFFFE0] =	vst v55  }
0x9e: {  	v57 =	vsub.f32 $1.000000000e+00, v56;
	[tilespmem:s21+$0xFFFFFFF0] =	vst v56;
	v58 =	vpop (erf)  }
0x9f: {  	[tilespmem:s21+$0xFFFFFFC0] =	vst v58  }
0xa0: {  	v59 =	vpop (erf);
	v1 =	vsub.f32 $1.000000000e+00, v58;
	[tilespmem:s31+$0xFFFFFFF0] =	vst v57  }
0xa1: {  	v60 =	vsub.f32 $1.000000000e+00, v59;
	[tilespmem:s21+$0x0] =	vst v59  }
0xa2: {  	[tilespmem:s31+$0xFFFFFFC0] =	vst v1  }
0xa3: {  	v61 =	vpop (erf);
	[tilespmem:s31+$0x0] =	vst v60  }
0xa4: {  	v62 =	vpop (erf);
	[tilespmem:s21+$0x10] =	vst v61;
	v1 =	vsub.f32 $1.000000000e+00, v61  }
0xa5: {  	[tilespmem:s21+$0x20] =	vst v62;
	v0 =	vsub.f32 $1.000000000e+00, v62  }
0xa6: {  	[tilespmem:s31+$0x10] =	vst v1  }
0xa7: {  	[tilespmem:s31+$0x20] =	vst v0  }
0xa8: {  	v0 =	vld [tilespmem:$0x4E10]  }
0xa9: {  	v1 =	vld [tilespmem:$0x2700];
	_ =	sdelay $0x6  }
0xaa: {  	v0 =	vld.idx.msk [tilespmem:v0+s11+$0x0], $0xffff  }
0xab: {  	v1 =	vld.idx.msk [tilespmem:v1+s12+$0x0], $0xffff;
	_ =	sdelay $0x4  }
0xac: {  	v0 =	vadd.f32 v1, v0;
	_ =	sdelay $0x1  }
0xad: {  	v0 =	vsub.f32 $0.0e+00, v0;
	_ =	sdelay $0x1  }
0xae: {  	v0 =	vmul.f32 $1.442695020e+00, v0;
	_ =	sdelay $0x1  }
0xaf: {  	(erf) = vpow2.f32 v0;
	_ =	sdelay $0x8  }
0xb0: {  	v0 =	vpop (erf)  }
0xb1: {  	v0 =	vadd.f32 $1.000000000e+00, v0;
	_ =	sdelay $0x1  }
0xb2: {  	(erf) = vrcp.f32 v0;
	_ =	sdelay $0x8  }
0xb3: {  	v0 =	vpop (erf)  }
0xb4: {  	v63 =	vsub.f32 $1.000000000e+00, v0  }
0xb5: {  	[tilespmem:$0xC520] =	vst v0  }
0xb6: {  	[tilespmem:$0xEC30] =	vst v63  }
0xb7: {  	[hbm4b:s7+s2] =	stream.linear.scatter [tilespmem:s17], [sflag:$0x5], $0x2710, $0x38;
	[tilespmem:$0xEC40] =	vst v63  }
0xb8: {  	s20 =	sadd.s32 $0x1, s20;
	_ =	swait.ge [sflag:s18], $0x2710  }
0xb9: {  	p0 =	sne.s32 s20, s9;
	[sflag:s18] =	ssyncset.done $0x0  }
.Ltmp1:
0xba: {  	[sflag:s18] =	ssyncadd.s32 $0xFFFFD8F0;
	(pc) =	sbr.rel @p0 .LBB2_1-.Ltmp1, $4  }
0xbb: {  	[hbm4b:s8+s2] =	stream.linear.scatter [tilespmem:s19], [sflag:$0x5], $0x2710, $0x38;
	[tilespmem:$0xEC40] =	vst v63  }
0xbc: {  	_ =	swait.ge [sflag:s18], $0x2710  }
0xbd: {  	[sflag:s18] =	ssyncset.done $0x0  }
0xbe: {  	[sflag:s18] =	ssyncadd.s32 $0xFFFFD8F0  }
0xbf: {  	_ =	sfence.sel $0x180000  }
0xc0: {  	[bflag:$0x0] =	sbarrier.arrive $0xFFFF  }
0xc1: {  	p0 =	sne.s32 s0, $0x0;
	_ =	strace $0x9000004D  }
0xc2: {  	s0 =	sadd.s32 @!p0 $0x100000, s1;
	[bflag:$0x2] =	sbarrier.arrive $0xFFFF  }
0xc3: {  	[sflag:s0] =	ssyncadd.tile.s32 @!p0 $0x1;
	_ =	shalt  }
.Lfunc_end2:
_tile_overlayer_lowered:
.L_overlay_start_2:
0xc4: {  	(tag) =	ssettag $0x2  }
0xc5: {  	s0 =	rddreg [dreg:$0x0];
	s2 =	stileid.u32  }
0xc6: {  	s1 =	rddreg [dreg:$0x1];
	p0 =	sne.s32 s2, $0x0  }
0xc7: {  	s3 =	rddreg [dreg:$0x2];
	[bflag:$0x3] =	sbarrier.arrive $0xFFFF;
	s2 =	simm.s32 @!p0 $0x1C05  }
0xc8: {  	[timem:s3], [sflag:s2] =	dma.local @!p0 [hbm:s0], s1  }
0xc9: {  	s0 =	simm.s32 @!p0 $0x5  }
0xca: {  	_ =	swait.ge @!p0 [sflag:s0], s1  }
0xcb: {  	s1 =	ssub.s32 @!p0 $0x0, s1;
	[sflag:s0] =	ssyncset.done @!p0 $0x0  }
0xcc: {  	[sflag:s0] =	ssyncadd.s32 @!p0 s1  }
0xcd: {  	[bflag:$0x3] =	sbarrier.arrive $0xFFFF  }
0xce: {  	_ =	shalt  }

// kernel: kernel.7.cloned.1.call-start
scs
__scs_entry_jumppad:
0x0: {  	(pc) =	sbr.rel $0x88, $3  }
0x1: {  	(tag) =	ssettag $0x0;
	lr =	simm.s32 $0x1  }
0x2: {  	[smem:$0x3F9B] =	sst lr;
	_ =	strace $0xD0000000  }
0x3: {  	_ = 	snop  }
0x4: {  	_ = 	snop  }
0x5: {  	_ = 	snop  }
0x6: {  	_ = 	snop  }
0x7: {  	_ = 	snop  }
__scs_overlays_trampoline_lowered:
0x8: {  	[smem:$0x3FAA] =	sst s0  }
0x9: {  	[smem:$0x3FAB] =	sst s1  }
0xa: {  	[smem:$0x3FAC] =	sst s2  }
0xb: {  	[smem:$0x3FAD] =	sst s3  }
0xc: {  	[smem:$0x3FAE] =	sst s4  }
0xd: {  	[smem:$0x3FAF] =	sst s5  }
0xe: {  	[smem:$0x3FB0] =	sst s6  }
0xf: {  	[smem:$0x3FB1] =	sst s7  }
0x10: {  	[smem:$0x3FB2] =	sst s8  }
0x11: {  	[smem:$0x3FB3] =	sst s9;
	s0 =	simm.s32 @!p0 $0x0  }
0x12: {  	s1 =	sld [smem:$0x3F99];
	s0 =	simm.s32 @p0 $0x1  }
0x13: {  	[smem:$0x3FB4] =	sst s0;
	s0 =	simm.s32 @!p1 $0x0  }
0x14: {  	s2 =	sld [smem:$0x3F98];
	s0 =	simm.s32 @p1 $0x1  }
0x15: {  	[smem:$0x3FB5] =	sst s0;
	s0 =	simm.s32 @!p2 $0x0  }
0x16: {  	s3 =	sld [smem:$0x3FDB];
	s0 =	simm.s32 @p2 $0x1  }
0x17: {  	s4 =	simm.s32 $0x1BF5;
	[smem:$0x3FB7] =	sst s0  }
0x18: {  	s0 =	sld [smem:$0x3F9A];
	_ =	swait.ge [sflag:s4], $0x0  }
0x19: {  	s7 =	sld [smem:$0x3F9B]  }
0x1a: {  	s8 =	sadd.s32 $0xFFFFE003, lr  }
0x1b: {  	s9 =	sadd.s32 $0xFFFFFEF7, lr;
	s5 =	simm.s32 $0xFFFFFFFF;
	p2 =	slt.u32 s8, $0xFFFFF086  }
0x1c: {  	p1 =	slt.u32 s9, $0xF7A;
	s5 =	simm.s32 @!p2 $0x0  }
0x1d: {  	s5 =	simm.s32 @p1 $0x1;
	p0 =	seq.s32 s7, s2  }
0x1e: {  	s7 =	smul.u32 @!p0 $0xF7A, s2;
	p2 =	seq.s32 @!p0 s5, $0x0  }
0x1f: {  	s9 =	smul.u32 $0xF7A, s1;
	s8 =	simm.s32 @!p0 $0x1BF5;
	p2 =	por !p2, p0  }
0x20: {  	[sflag:s8] =	ssyncset.s32 @!p0 $0xFFFFF086;
	s6 =	sadd.s32 @!p0 s3, s7;
	s7 =	simm.s32 @!p0 $0x108  }
0x21: {  	s3 =	sadd.s32 s3, s9;
	s6 =	sadd.s32 @!p0 $0x88, s6;
	s7 =	simm.s32 @p2 $0x1082  }
0x22: {  	[simem:s7], [sflag:s8] =	dma.local @!p0 [hbm:s6], $0xF7A  }
0x23: {  	s9 =	sor.u32 $0xD0000000, s2;
	s6 =	simm.s32 $0x108;
	_ =	swait.ge @!p0 [sflag:s8], $0x0  }
0x24: {  	s3 =	sadd.s32 $0x88, s3;
	s6 =	simm.s32 @!p1 $0x1082;
	[sflag:s4] =	ssyncset.s32 $0xFFFFF086  }
0x25: {  	[simem:s6], [sflag:s4] =	dma.local [hbm:s3], $0xF7A  }
0x26: {  	[smem:$0x3F9B] =	sst s1;
	(tag) =	ssettag s2;
	_ =	strace s9  }
0x27: {  	s1 =	sld [smem:$0x3FAB]  }
0x28: {  	s2 =	sld [smem:$0x3FAC]  }
0x29: {  	s4 =	sld [smem:$0x3FAE]  }
0x2a: {  	p0 =	seq.s32 s5, $0x0;
	s5 =	sld [smem:$0x3FAF]  }
0x2b: {  	s6 =	sld [smem:$0x3FB0]  }
0x2c: {  	s7 =	sld [smem:$0x3FB1]  }
0x2d: {  	s3 =	simm.s32 $0x108;
	s8 =	sld [smem:$0x3FB2]  }
0x2e: {  	s3 =	simm.s32 @!p0 $0x1082;
	s9 =	sld [smem:$0x3FB3]  }
0x2f: {  	lr =	sadd.s32 s0, s3;
	s0 =	sld [smem:$0x3FAA]  }
0x30: {  	s3 =	sld [smem:$0x3FAD]  }
0x31: {  	[smem:$0x3FB6] =	sst s10  }
0x32: {  	s10 =	sld [smem:$0x3FB4];
	_ =	sdelay $0x3  }
0x33: {  	p0 =	seq.s32 s10, $0x1;
	s10 =	sld [smem:$0x3FB6];
	_ =	sdelay $0x3  }
0x34: {  	[smem:$0x3FB6] =	sst s10  }
0x35: {  	s10 =	sld [smem:$0x3FB5];
	_ =	sdelay $0x3  }
0x36: {  	p1 =	seq.s32 s10, $0x1;
	s10 =	sld [smem:$0x3FB6];
	_ =	sdelay $0x3  }
0x37: {  	[smem:$0x3FB6] =	sst s10  }
0x38: {  	s10 =	sld [smem:$0x3FB7]  }
0x39: {  	_ = 	snop;
	(pc) =	sbr.ind lr, $3  }
0x3a: {  	_ = 	snop  }
0x3b: {  	_ = 	snop  }
0x3c: {  	p2 =	seq.s32 s10, $0x1;
	s10 =	sld [smem:$0x3FB6]  }
0x3d: {  	_ =	shalt  }
0x3e: {  	_ =	shalt  }
0x3f: {  	_ =	shalt  }
0x40: {  	_ =	shalt  }
0x41: {  	_ =	shalt  }
0x42: {  	_ =	shalt  }
0x43: {  	_ =	shalt  }
0x44: {  	_ =	shalt  }
0x45: {  	_ =	shalt  }
0x46: {  	_ =	shalt  }
0x47: {  	_ =	shalt  }
0x48: {  	_ =	shalt  }
0x49: {  	_ =	shalt  }
0x4a: {  	_ =	shalt  }
0x4b: {  	_ =	shalt  }
0x4c: {  	_ =	shalt  }
0x4d: {  	_ =	shalt  }
0x4e: {  	_ =	shalt  }
0x4f: {  	_ =	shalt  }
0x50: {  	_ =	shalt  }
0x51: {  	_ =	shalt  }
0x52: {  	_ =	shalt  }
0x53: {  	_ =	shalt  }
0x54: {  	_ =	shalt  }
0x55: {  	_ =	shalt  }
0x56: {  	_ =	shalt  }
0x57: {  	_ =	shalt  }
0x58: {  	_ =	shalt  }
0x59: {  	_ =	shalt  }
0x5a: {  	_ =	shalt  }
0x5b: {  	_ =	shalt  }
0x5c: {  	_ =	shalt  }
0x5d: {  	_ =	shalt  }
0x5e: {  	_ =	shalt  }
0x5f: {  	_ =	shalt  }
0x60: {  	_ =	shalt  }
0x61: {  	_ =	shalt  }
0x62: {  	_ =	shalt  }
0x63: {  	_ =	shalt  }
0x64: {  	_ =	shalt  }
0x65: {  	_ =	shalt  }
0x66: {  	_ =	shalt  }
0x67: {  	_ =	shalt  }
0x68: {  	_ =	shalt  }
0x69: {  	_ =	shalt  }
0x6a: {  	_ =	shalt  }
0x6b: {  	_ =	shalt  }
0x6c: {  	_ =	shalt  }
0x6d: {  	_ =	shalt  }
0x6e: {  	_ =	shalt  }
0x6f: {  	_ =	shalt  }
0x70: {  	_ =	shalt  }
0x71: {  	_ =	shalt  }
0x72: {  	_ =	shalt  }
0x73: {  	_ =	shalt  }
0x74: {  	_ =	shalt  }
0x75: {  	_ =	shalt  }
0x76: {  	_ =	shalt  }
0x77: {  	_ =	shalt  }
0x78: {  	_ =	shalt  }
0x79: {  	_ =	shalt  }
0x7a: {  	_ =	shalt  }
0x7b: {  	_ =	shalt  }
0x7c: {  	_ =	shalt  }
0x7d: {  	_ =	shalt  }
0x7e: {  	_ =	shalt  }
0x7f: {  	_ =	shalt  }
0x80: {  	_ =	shalt  }
0x81: {  	_ =	shalt  }
0x82: {  	_ =	shalt  }
0x83: {  	_ =	shalt  }
0x84: {  	_ =	shalt  }
0x85: {  	_ =	shalt  }
0x86: {  	_ =	shalt  }
0x87: {  	_ =	shalt  }
.Lfunc_end0:
.L_simem_size_0:
called_computation_lowered:
.L_overlay_start_0:
0x88: {  	s2 =	sld [smem:$0x3FD9]  }
0x89: {  	s3 =	sld [smem:$0x3FFE];
	_ =	sdelay $0x1  }
0x8a: {  	s1 =	srdreg.scid  }
0x8b: {  	s0 =	sand.u32 $0x1, s1  }
0x8c: {  	s17 =	sshll.u32 s0, $0xA;
	s2 =	sadd.s32 s3, s2  }
0x8d: {  	s2 =	sadd.s32 s2, s17  }
0x8e: {  	[smem:$0x3FC2] =	sst s2  }
0x8f: {  	_ = 	snop  }
0x90: {  	s2 =	sld [smem:$0x3FD0];
	(tm) =	ssettm $0x1  }
0x91: {  	s18 =	sld [smem:$0x3FFB];
	_ =	sdelay $0x3  }
0x92: {  	_ =	strace s18  }
0x93: {  	s3 =	sld [smem:$0x3FFC];
	_ =	sdelay $0x3  }
0x94: {  	_ =	strace s3  }
0x95: {  	s3 =	sld [smem:$0x3FFD];
	_ =	sdelay $0x3  }
0x96: {  	_ =	strace s3  }
0x97: {  	_ =	strace $0x8FFFFFFF  }
0x98: {  	s19 =	sld [smem:$0x3FDB];
	_ =	sdelay $0x1  }
0x99: {  	s4 =	simm.s32 $_scs_section_size  }
0x9a: {  	s5 =	simm.s32 $_size__tile_overlayer_lowered;
	s6 =	simm.s32 $_tile_overlayer_lowered  }
0x9b: {  	s22 =	simm.s32 $0x1BFF;
	s21 =	sshll.u32 s6, $0x1;
	s3 =	sadd.s32 s4, s19  }
0x9c: {  	s7 =	simm.s32 $0x0;
	s20 =	sshll.u32 s5, $0x1;
	s5 =	sadd.s32 s21, s3  }
0x9d: {  	[timem:s7], [sflag:s22] =	dma.local [hbm:s5], s20  }
0x9e: {  	_ =	swait.ge [sflag:s22], s20  }
0x9f: {  	s4 =	ssub.s32 $0x0, s20;
	[sflag:s22] =	ssyncset.done $0x0  }
0xa0: {  	[sflag:s22] =	ssyncadd.s32 s4;
	_ =	sdelay $0x1  }
0xa1: {  	s23 =	simm.s32 $0x1B8B  }
0xa2: {  	_ =	swait.ge [sflag:s23], $0x1  }
0xa3: {  	[sflag:s23] =	ssyncset.done $0x0  }
0xa4: {  	s25 =	simm.s32 $0x1B8E;
	s24 =	sld [smem:$0x3FFE];
	[sflag:s23] =	ssyncadd.s32 $0xFFFFFFFF  }
0xa5: {  	s26 =	simm.s32 $execute0_lowered;
	[smem:$0x3FD2] =	sst s25  }
0xa6: {  	s5 =	sshll.u32 s26, $0x1;
	_ =	strace $0x80000046;
	[dreg:$0x1] =	wrdreg $0xFFFFFFFF  }
0xa7: {  	s28 =	simm.s32 $_size_execute0_lowered;
	s3 =	sadd.s32 s3, s5;
	[dreg:$0x0] =	wrdreg $0x0  }
0xa8: {  	s5 =	sshll.u32 s28, $0x1;
	[dreg:$0x2] =	wrdreg s3  }
0xa9: {  	[dreg:$0x3] =	wrdreg s5  }
0xaa: {  	[dreg:$0x4] =	wrdreg $0xC0  }
0xab: {  	_ =	task [dreg:s7], $0x5FFFF  }
0xac: {  	[dreg:$0x1] =	wrdreg $0xFFFFFFFF  }
0xad: {  	[dreg:$0x0] =	wrdreg $0x60  }
0xae: {  	[dreg:$0x2] =	wrdreg s2  }
0xaf: {  	[dreg:$0x3] =	wrdreg s24  }
0xb0: {  	[dreg:$0x4] =	wrdreg $0x79900  }
0xb1: {  	[dreg:$0x5] =	wrdreg $0x9  }
0xb2: {  	_ =	task.clear_ibuf [dreg:s7], $0x6FFFF;
	_ =	strace $0x90000046  }
0xb3: {  	s29 =	simm.s32 $0x9;
	_ =	strace $0x80000048  }
0xb4: {  	_ =	swait.ge [sflag:s29], $0x1  }
0xb5: {  	[sflag:s29] =	ssyncadd.s32 $0xFFFFFFFF  }
0xb6: {  	_ =	strace $0x90000048  }
0xb7: {  	_ =	sfence  }
0xb8: {  	s30 =	sld [smem:$0x0];
	_ =	sdelay $0x2  }
0xb9: {  	s31 =	sshll.u32 s1, $0xD;
	s1 =	sshrl.u32 s1, $0x2  }
0xba: {  	s3 =	sand.u32 $0x4000, s31;
	s1 =	sadd.s32 s1, s30  }
0xbb: {  	s0 =	sor.u32 s3, s0;
	s1 =	sshll.u32 s1, $0x11  }
0xbc: {  	s0 =	sor.u32 s1, s0  }
0xbd: {  	s0 =	sadd.s32 $0x8F2B, s0  }
0xbe: {  	[sflag:s0] =	ssyncadd.remote.s32 $0x1  }
0xbf: {  	_ =	sfence.sel $0xFFFF  }
0xc0: {  	[dreg:$0x0] =	wrdreg $0xFFFFFFFF;
	(pc) =	sbr.abs _section_cstart, $3  }
0xc1: {  	[dreg:$0x1] =	wrdreg $0xFFFFFFFF  }
0xc2: {  	_ =	task.clear_ibuf [dreg:s7], $0x2FFFF;
	_ =	strace $0x9FFFFFFF  }
0xc3: {  	(tm) =	ssettm $0x7FFFFFFF  }
tec
execute0_lowered:
.L_overlay_start_1:
0x0: {  	(tag) =	ssettag $0x1  }
0x1: {  	s3 =	rddreg [dreg:$0x0]  }
0x2: {  	s4 =	rddreg [dreg:$0x1]  }
0x3: {  	s5 =	rddreg [dreg:$0x2];
	s2 =	srdreg.scid  }
0x4: {  	s1 =	stileid.u32;
	s0 =	rddreg [dreg:$0x3];
	s12 =	simm.s32 $0x4F10  }
0x5: {  	s13 =	simm.s32 $0x7710;
	s14 =	simm.s32 $0x0;
	s7 =	smul.u32 $0x280, s1  }
0x6: {  	s6 =	sand.u32 $0x1, s2;
	s2 =	simm.s32 $0x0;
	s10 =	smul.u32 $0xA000, s1  }
0x7: {  	s9 =	sshll.u32 s1, $0x1;
	s8 =	smul.u32 $0x2800, s6;
	[smem:$0x7FF] =	sst s2  }
0x8: {  	s9 =	sor.u32 s6, s9;
	s6 =	ssub.s32 $0x2, s6;
	_ =	strace $0x80000047  }
0x9: {  	s9 =	smul.u32 $0x2710, s9;
	s30 =	sshrl.u32 s6, $0x1;
	s8 =	sadd.s32 s7, s8  }
0xa: {  	s31 =	sshrl.u32 s10, $0x2;
	s10 =	simm.s32 $0x280;
	s8 =	sshrl.u32 s8, $0x3  }
0xb: {  	s11 =	ssub.s32 s6, s30;
	s9 =	sshrl.u32 s9, $0x3;
	s8 =	sadd.s32 s8, s4  }
0xc: {  	s3 =	sadd.s32 s3, s9;
	s4 =	sadd.s32 s31, s5;
	s5 =	sadd.s32 s7, s5  }
0xd: {  	s7 =	smax.u32 s11, $0x1;
	s9 =	simm.s32 $0x2710;
	s11 =	simm.s32 $0x2800  }
0xe: {  	v0 =	vimm.f32 $0.0e+00;
	v1 =	vimm.f32 $1.000000000e+00;
	s3 =	sadd.s32 $0x9C40, s3;
	s6 =	sadd.s32 $0x1E00, s8;
	s8 =	simm.s32 $0x1  }
.LBB2_1:
0xf: {  	[tilespmem:s2], [sflag:$0x1] =	stream.linear.gather [hbm4b:s3+s2], $0x2710, $0x38;
	[tilespmem:$0xA190] =	vst v63  }
0x10: {  	_ =	swait.ge [sflag:s8], $0x2710  }
0x11: {  	[sflag:s8] =	ssyncset.done $0x0  }
0x12: {  	s15 =	simm.s32 $0x0;
	[sflag:s8] =	ssyncadd.s32 $0xFFFFD8F0  }
.LBB2_2:
0x13: {  	p0 =	sne.s32 s15, $0x9FC0  }
.Ltmp0:
0x14: {  	_ = 	snop;
	(pc) =	sbr.rel @p0 .LBB2_2-.Ltmp0, $3  }
0x15: {  	_ =	sdelay $0x1  }
0x16: {  	s16 =	sshra.s32 s15, $0x2  }
0x17: {  	s15 =	sadd.s32 $0x40, s15;
	[tilespmem:s16+$0x2710] =	vst v0  }
0x18: {  	s16 =	simm.s32 $0x0;
	s15 =	simm.s32 $0x40  }
.LBB2_4:
0x19: {  	p0 =	sne.s32 s15, $0x9C00;
	v2 =	vld [tilespmem:s16+$0x0];
	_ =	sdelay $0x3  }
.Ltmp1:
0x1a: {  	(pc) =	sbr.rel @p0 .LBB2_4-.Ltmp1, $2  }
0x1b: {  	_ =	sdelay $0x2  }
0x1c: {  	s16 =	sshra.s32 s15, $0x2;
	s15 =	sadd.s32 $0x40, s15;
	[tilespmem:v2+s9+$0x0] =	vst.idx.add.f32.msk $0xffff, v1  }
0x1d: {  	v2 =	vld [tilespmem:s16+$0x0];
	_ =	sdelay $0x7  }
0x1e: {  	[tilespmem:v2+s9+$0x0] =	vst.idx.add.f32.msk $0xffff, v1  }
0x1f: {  	[spmem:s4] =	stream.linear.scatter [tilespmem:s9], [sflag:$0x1], $0x2800, $0x38;
	[tilespmem:$0xA190] =	vst v63  }
0x20: {  	_ =	swait.ge [sflag:s8], $0x2800  }
0x21: {  	[sflag:s8] =	ssyncset.done $0x0  }
0x22: {  	[sflag:s8] =	ssyncadd.s32 $0xFFFFD800  }
0x23: {  	[bflag:$0x0] =	sbarrier.arrive $0xFFFF  }
0x24: {  	[tilespmem:s12], [sflag:$0x1] =	stream.strided.gather [spmem:s5], $0x2800, s11, s10, $0x38;
	[tilespmem:$0xA190] =	vst v63  }
0x25: {  	_ =	swait.ge [sflag:s8], $0x2800  }
0x26: {  	[sflag:s8] =	ssyncset.done $0x0  }
0x27: {  	s16 =	simm.s32 $0x0;
	[sflag:s8] =	ssyncadd.s32 $0xFFFFD800  }
0x28: {  	v2 =	vld [tilespmem:s16+$0x4F10]  }
0x29: {  	v3 =	vld [tilespmem:s16+$0x5190];
	_ =	sdelay $0x1  }
0x2a: {  	v4 =	vld [tilespmem:s16+$0x5410];
	_ =	sdelay $0x1  }
0x2b: {  	v5 =	vld [tilespmem:s16+$0x5690]  }
0x2c: {  	v2 =	vadd.f32 v3, v2  }
0x2d: {  	v3 =	vld [tilespmem:s16+$0x5910]  }
0x2e: {  	v2 =	vadd.f32 v4, v2  }
0x2f: {  	v4 =	vld [tilespmem:s16+$0x5B90]  }
0x30: {  	v2 =	vadd.f32 v5, v2  }
0x31: {  	v5 =	vld [tilespmem:s16+$0x5E10]  }
0x32: {  	v2 =	vadd.f32 v3, v2  }
0x33: {  	v3 =	vld [tilespmem:s16+$0x6090]  }
0x34: {  	s15 =	simm.s32 $0x10;
	v6 =	vld [tilespmem:s16+$0x6310];
	v2 =	vadd.f32 v4, v2  }
0x35: {  	v7 =	vld [tilespmem:s15+$0x4F10]  }
0x36: {  	v4 =	vld [tilespmem:s16+$0x6590];
	v2 =	vadd.f32 v5, v2  }
0x37: {  	v5 =	vld [tilespmem:s15+$0x5190]  }
0x38: {  	v8 =	vld [tilespmem:s15+$0x5410];
	v2 =	vadd.f32 v3, v2  }
0x39: {  	v3 =	vld [tilespmem:s16+$0x6810]  }
0x3a: {  	v9 =	vld [tilespmem:s15+$0x5690];
	v2 =	vadd.f32 v6, v2  }
0x3b: {  	v6 =	vld [tilespmem:s16+$0x6A90]  }
0x3c: {  	v5 =	vadd.f32 v5, v7;
	v7 =	vld [tilespmem:s15+$0x5910];
	v2 =	vadd.f32 v4, v2  }
0x3d: {  	v4 =	vld [tilespmem:s16+$0x6D10]  }
0x3e: {  	v5 =	vadd.f32 v8, v5;
	v8 =	vld [tilespmem:s15+$0x5B90];
	v2 =	vadd.f32 v3, v2  }
0x3f: {  	v3 =	vld [tilespmem:s16+$0x6F90]  }
0x40: {  	v10 =	vld [tilespmem:s15+$0x5E10];
	v5 =	vadd.f32 v9, v5;
	v2 =	vadd.f32 v6, v2  }
0x41: {  	v9 =	vld [tilespmem:s16+$0x7210]  }
0x42: {  	v6 =	vadd.f32 v7, v5;
	v5 =	vld [tilespmem:s15+$0x6090];
	v7 =	vadd.f32 v4, v2  }
0x43: {  	v4 =	vld [tilespmem:s16+$0x7490]  }
0x44: {  	v2 =	vld [tilespmem:s15+$0x6590];
	v8 =	vadd.f32 v8, v6;
	v11 =	vadd.f32 v3, v7  }
0x45: {  	s17 =	simm.s32 $0x20;
	v6 =	vld [tilespmem:s15+$0x6310]  }
0x46: {  	s18 =	simm.s32 $0xC0;
	v3 =	vld [tilespmem:s17+$0x4F10];
	v7 =	vadd.f32 v10, v8;
	v8 =	vadd.f32 v9, v11  }
.LBB2_6:
0x47: {  	p0 =	sne.s32 s18, $0x9C0;
	v9 =	vld [tilespmem:s17+$0x5190]  }
0x48: {  	v5 =	vadd.f32 v5, v7;
	v7 =	vld [tilespmem:s15+$0x6810];
	v4 =	vadd.f32 v4, v8  }
0x49: {  	v8 =	vld [tilespmem:s17+$0x5410]  }
0x4a: {  	v5 =	vadd.f32 v6, v5;
	v6 =	vld [tilespmem:s15+$0x6A90];
	[tilespmem:s16+$0x7710] =	vst v4;
	s16 =	smov.u32 s15;
	s15 =	smov.u32 s17  }
0x4b: {  	v4 =	vld [tilespmem:s15+$0x5690]  }
0x4c: {  	v3 =	vadd.f32 v9, v3;
	v2 =	vadd.f32 v2, v5;
	v5 =	vld [tilespmem:s16+$0x6D10]  }
0x4d: {  	v9 =	vld [tilespmem:s15+$0x5910]  }
0x4e: {  	v3 =	vadd.f32 v8, v3;
	v2 =	vadd.f32 v7, v2;
	v7 =	vld [tilespmem:s16+$0x6F90]  }
0x4f: {  	v8 =	vld [tilespmem:s15+$0x5B90]  }
0x50: {  	v3 =	vadd.f32 v4, v3;
	v2 =	vadd.f32 v6, v2;
	v10 =	vld [tilespmem:s16+$0x7210]  }
0x51: {  	v11 =	vld [tilespmem:s15+$0x5E10]  }
.Ltmp2:
0x52: {  	v3 =	vadd.f32 v9, v3;
	v6 =	vadd.f32 v5, v2;
	v4 =	vld [tilespmem:s16+$0x7490];
	(pc) =	sbr.rel @p0 .LBB2_6-.Ltmp2, $4  }
0x53: {  	v5 =	vld [tilespmem:s15+$0x6090]  }
0x54: {  	v8 =	vadd.f32 v8, v3;
	v2 =	vld [tilespmem:s15+$0x6590];
	v9 =	vadd.f32 v7, v6  }
0x55: {  	s17 =	sshra.s32 s18, $0x2;
	v6 =	vld [tilespmem:s15+$0x6310]  }
0x56: {  	s18 =	sadd.s32 $0x40, s18;
	v3 =	vld [tilespmem:s17+$0x4F10];
	v7 =	vadd.f32 v11, v8;
	v8 =	vadd.f32 v10, v9  }
0x57: {  	v9 =	vld [tilespmem:s17+$0x5190]  }
0x58: {  	v10 =	vld [tilespmem:s15+$0x6810];
	v4 =	vadd.f32 v4, v8  }
0x59: {  	v49 =	vld [tilespmem:s17+$0x5410]  }
0x5a: {  	v11 =	vld [tilespmem:s15+$0x6A90];
	v5 =	vadd.f32 v5, v7;
	[tilespmem:s16+$0x7710] =	vst v4  }
0x5b: {  	v4 =	vld [tilespmem:s17+$0x5690]  }
0x5c: {  	v5 =	vadd.f32 v6, v5;
	v3 =	vadd.f32 v9, v3  }
0x5d: {  	v50 =	vld [tilespmem:s17+$0x5910]  }
0x5e: {  	v51 =	vld [tilespmem:s15+$0x6D10];
	v2 =	vadd.f32 v2, v5;
	v3 =	vadd.f32 v49, v3  }
0x5f: {  	v52 =	vld [tilespmem:s17+$0x5B90]  }
0x60: {  	v53 =	vld [tilespmem:s15+$0x6F90];
	v2 =	vadd.f32 v10, v2;
	v3 =	vadd.f32 v4, v3  }
0x61: {  	v54 =	vld [tilespmem:s17+$0x5E10]  }
0x62: {  	v55 =	vld [tilespmem:s15+$0x7210];
	v2 =	vadd.f32 v11, v2;
	v3 =	vadd.f32 v50, v3  }
0x63: {  	v56 =	vld [tilespmem:s17+$0x6090]  }
0x64: {  	v57 =	vld [tilespmem:s15+$0x7490];
	v2 =	vadd.f32 v51, v2;
	v3 =	vadd.f32 v52, v3  }
0x65: {  	v58 =	vld [tilespmem:s17+$0x6310]  }
0x66: {  	v2 =	vadd.f32 v53, v2;
	v3 =	vadd.f32 v54, v3  }
0x67: {  	v59 =	vld [tilespmem:s17+$0x6590]  }
0x68: {  	v2 =	vadd.f32 v55, v2;
	v3 =	vadd.f32 v56, v3  }
0x69: {  	v60 =	vld [tilespmem:s17+$0x6810]  }
0x6a: {  	v2 =	vadd.f32 v57, v2;
	v3 =	vadd.f32 v58, v3  }
0x6b: {  	v61 =	vld [tilespmem:s17+$0x6A90]  }
0x6c: {  	[tilespmem:s15+$0x7710] =	vst v2;
	v2 =	vadd.f32 v59, v3  }
0x6d: {  	v3 =	vld [tilespmem:s17+$0x6D10]  }
0x6e: {  	v2 =	vadd.f32 v60, v2  }
0x6f: {  	v62 =	vld [tilespmem:s17+$0x6F90]  }
0x70: {  	v2 =	vadd.f32 v61, v2  }
0x71: {  	v63 =	vld [tilespmem:s17+$0x7210]  }
0x72: {  	v2 =	vadd.f32 v3, v2  }
0x73: {  	v3 =	vld [tilespmem:s17+$0x7490]  }
0x74: {  	v2 =	vadd.f32 v62, v2;
	_ =	sdelay $0x1  }
0x75: {  	v2 =	vadd.f32 v63, v2;
	_ =	sdelay $0x1  }
0x76: {  	s14 =	sadd.s32 $0x1, s14;
	v2 =	vadd.f32 v3, v2  }
0x77: {  	p0 =	sne.s32 s14, s7  }
.Ltmp3:
0x78: {  	[tilespmem:s17+$0x7710] =	vst v2;
	(pc) =	sbr.rel @p0 .LBB2_1-.Ltmp3, $4  }
0x79: {  	[hbm4b:s6+s2] =	stream.linear.scatter [tilespmem:s13], [sflag:$0x1], $0x280, $0x38;
	[tilespmem:$0xA190] =	vst v63  }
0x7a: {  	_ =	swait.ge [sflag:s8], $0x280  }
0x7b: {  	[sflag:s8] =	ssyncset.done $0x0  }
0x7c: {  	[sflag:s8] =	ssyncadd.s32 $0xFFFFFD80  }
0x7d: {  	_ =	sfence.sel $0x180000  }
0x7e: {  	[bflag:$0x0] =	sbarrier.arrive $0xFFFF  }
0x7f: {  	p0 =	sne.s32 s1, $0x0;
	_ =	strace $0x90000047  }
0x80: {  	s0 =	sadd.s32 @!p0 $0x100000, s0;
	[bflag:$0x2] =	sbarrier.arrive $0xFFFF  }
0x81: {  	[sflag:s0] =	ssyncadd.tile.s32 @!p0 $0x1;
	_ =	shalt  }
.Lfunc_end2:
_tile_overlayer_lowered:
.L_overlay_start_2:
0x82: {  	(tag) =	ssettag $0x2  }
0x83: {  	s0 =	rddreg [dreg:$0x0];
	s2 =	stileid.u32  }
0x84: {  	s1 =	rddreg [dreg:$0x1];
	p0 =	sne.s32 s2, $0x0  }
0x85: {  	s3 =	rddreg [dreg:$0x2];
	[bflag:$0x3] =	sbarrier.arrive $0xFFFF;
	s2 =	simm.s32 @!p0 $0x1C01  }
0x86: {  	[timem:s3], [sflag:s2] =	dma.local @!p0 [hbm:s0], s1  }
0x87: {  	s0 =	simm.s32 @!p0 $0x1  }
0x88: {  	_ =	swait.ge @!p0 [sflag:s0], s1  }
0x89: {  	s1 =	ssub.s32 @!p0 $0x0, s1;
	[sflag:s0] =	ssyncset.done @!p0 $0x0  }
0x8a: {  	[sflag:s0] =	ssyncadd.s32 @!p0 s1  }
0x8b: {  	[bflag:$0x3] =	sbarrier.arrive $0xFFFF  }
0x8c: {  	_ =	shalt  }

</sc_bundles>
